<compile_context>
chip_gen: v7x
topology: tpu7x:2x2x1
jax: 0.10.2.dev20260603
libtpu: 0.0.44.dev20260713+nightly
codegen_flags: <defaults>
</compile_context>

<pallas_src>
import functools

import jax
import jax.numpy as jnp
from jax import lax
from jax.experimental import pallas as pl
from jax.experimental.pallas import tpu as pltpu
from jax.experimental.pallas import tpu_sc as plsc

N = 10000
NPAD = 10112
NTILES = 16
RPT = NPAD // NTILES
E = 320000
CH = 128
CPT_FULL = 160
CPT_HALF = 80
IBLK = 40
ECHUNKS = 2 * NTILES * CPT_HALF
EPAD = ECHUNKS * CH
D_IN = 128
D1 = 256
D2 = 128
H1 = D1 // 2
DEGW = 128
EPS = 1e-5

_f32 = jnp.float32


def _sc_mesh():
    return plsc.VectorSubcoreMesh(
        core_axis_name="c", subcore_axis_name="s", num_cores=2, num_subcores=16
    )


@functools.partial(
    pl.kernel,
    out_type=(
        jax.ShapeDtypeStruct((NPAD, DEGW), _f32),
        jax.ShapeDtypeStruct((NPAD, DEGW), _f32),
    ),
    mesh=_sc_mesh(),
    scratch_types=(
        pltpu.VMEM((CPT_HALF, CH), jnp.int32),
        pltpu.VMEM((CH, 128), _f32),
        pltpu.VMEM_SHARED((NPAD, 128), _f32),
    ),
)
def _deg_kernel(dst2d, ones_h, z128, p0_out, p1_out, didx, ones_v, dacc):
    c = lax.axis_index("c")
    s = lax.axis_index("s")
    row0 = pl.multiple_of(s * RPT, 8)
    pltpu.sync_copy(z128.at[pl.ds(row0, RPT)], dacc.at[pl.ds(row0, RPT)])
    pltpu.sync_copy(ones_h, ones_v)
    chunk0 = pl.multiple_of(c * (ECHUNKS // 2) + s * CPT_HALF, 8)
    pltpu.sync_copy(dst2d.at[pl.ds(chunk0, CPT_HALF)], didx)
    plsc.subcore_barrier()

    def chunk(k, carry):
        pltpu.sync_copy(ones_v, dacc.at[didx.at[k]], add=True)
        return carry

    lax.fori_loop(0, CPT_HALF, chunk, 0)
    plsc.subcore_barrier()

    @pl.when(c == 0)
    def _():
        pltpu.sync_copy(dacc.at[pl.ds(row0, RPT)], p0_out.at[pl.ds(row0, RPT)])

    @pl.when(c == 1)
    def _():
        pltpu.sync_copy(dacc.at[pl.ds(row0, RPT)], p1_out.at[pl.ds(row0, RPT)])


def _agg_pipeline(tbl, acc, src2d, dst2d, chunk0, nchunks,
                  sidx, didx, rows0, rows1, sem0, sem1):

    def block(b, carry):
        boff = pl.multiple_of(chunk0 + b * IBLK, 8)
        pltpu.sync_copy(src2d.at[pl.ds(boff, IBLK)], sidx)
        pltpu.sync_copy(dst2d.at[pl.ds(boff, IBLK)], didx)
        pltpu.async_copy(tbl.at[sidx.at[0]], rows0, sem0)

        def pair(j, carry2):
            k0 = 2 * j
            k1 = k0 + 1
            pltpu.async_copy(tbl.at[sidx.at[k1]], rows1, sem1)
            pltpu.make_async_copy(tbl.at[sidx.at[k0]], rows0, sem0).wait()
            pltpu.sync_copy(rows0, acc.at[didx.at[k0]], add=True)

            @pl.when(k0 + 2 < IBLK)
            def _():
                pltpu.async_copy(tbl.at[sidx.at[k0 + 2]], rows0, sem0)

            pltpu.make_async_copy(tbl.at[sidx.at[k1]], rows1, sem1).wait()
            pltpu.sync_copy(rows1, acc.at[didx.at[k1]], add=True)
            return carry2

        lax.fori_loop(0, IBLK // 2, pair, 0)
        return carry

    lax.fori_loop(0, nchunks // IBLK, block, 0)


@functools.partial(
    pl.kernel,
    out_type=(
        jax.ShapeDtypeStruct((NPAD, H1), _f32),
        jax.ShapeDtypeStruct((NPAD, H1), _f32),
    ),
    mesh=_sc_mesh(),
    scratch_types=(
        pltpu.VMEM((IBLK, CH), jnp.int32),
        pltpu.VMEM((IBLK, CH), jnp.int32),
        pltpu.VMEM((CH, H1), _f32),
        pltpu.VMEM((CH, H1), _f32),
        pltpu.VMEM_SHARED((NPAD, H1), _f32),
        pltpu.SemaphoreType.DMA,
        pltpu.SemaphoreType.DMA,
    ),
)
def _agg_l1(src2d, dst2d, tlo, thi, zw, out_lo, out_hi,
            sidx, didx, rows0, rows1, acc, sem0, sem1):
    c = lax.axis_index("c")
    s = lax.axis_index("s")
    row0 = pl.multiple_of(s * RPT, 8)
    pltpu.sync_copy(zw.at[pl.ds(row0, RPT)], acc.at[pl.ds(row0, RPT)])
    chunk0 = pl.multiple_of(s * CPT_FULL, 8)
    plsc.subcore_barrier()

    @pl.when(c == 0)
    def _():
        _agg_pipeline(tlo, acc, src2d, dst2d, chunk0, CPT_FULL,
                      sidx, didx, rows0, rows1, sem0, sem1)

    @pl.when(c == 1)
    def _():
        _agg_pipeline(thi, acc, src2d, dst2d, chunk0, CPT_FULL,
                      sidx, didx, rows0, rows1, sem0, sem1)

    plsc.subcore_barrier()

    @pl.when(c == 0)
    def _():
        pltpu.sync_copy(acc.at[pl.ds(row0, RPT)], out_lo.at[pl.ds(row0, RPT)])

    @pl.when(c == 1)
    def _():
        pltpu.sync_copy(acc.at[pl.ds(row0, RPT)], out_hi.at[pl.ds(row0, RPT)])


@functools.partial(
    pl.kernel,
    out_type=(
        jax.ShapeDtypeStruct((NPAD, D2), _f32),
        jax.ShapeDtypeStruct((NPAD, D2), _f32),
    ),
    mesh=_sc_mesh(),
    scratch_types=(
        pltpu.VMEM((IBLK, CH), jnp.int32),
        pltpu.VMEM((IBLK, CH), jnp.int32),
        pltpu.VMEM((CH, D2), _f32),
        pltpu.VMEM((CH, D2), _f32),
        pltpu.VMEM_SHARED((NPAD, D2), _f32),
        pltpu.SemaphoreType.DMA,
        pltpu.SemaphoreType.DMA,
    ),
)
def _agg_l2(src2d, dst2d, tbl, zw, part0_out, part1_out,
            sidx, didx, rows0, rows1, acc, sem0, sem1):
    c = lax.axis_index("c")
    s = lax.axis_index("s")
    row0 = pl.multiple_of(s * RPT, 8)
    pltpu.sync_copy(zw.at[pl.ds(row0, RPT)], acc.at[pl.ds(row0, RPT)])
    chunk0 = pl.multiple_of(c * (ECHUNKS // 2) + s * CPT_HALF, 8)
    plsc.subcore_barrier()

    _agg_pipeline(tbl, acc, src2d, dst2d, chunk0, CPT_HALF,
                  sidx, didx, rows0, rows1, sem0, sem1)

    plsc.subcore_barrier()

    @pl.when(c == 0)
    def _():
        pltpu.sync_copy(acc.at[pl.ds(row0, RPT)], part0_out.at[pl.ds(row0, RPT)])

    @pl.when(c == 1)
    def _():
        pltpu.sync_copy(acc.at[pl.ds(row0, RPT)], part1_out.at[pl.ds(row0, RPT)])


def _tc1_body(x_ref, w1_ref, p0_ref, p1_ref, hdlo_ref, hdhi_ref, dinv_ref):
    deg = p0_ref[:, 0:1] + p1_ref[:, 0:1] + 1.0
    dinv = lax.rsqrt(deg)
    dinv_ref[...] = dinv
    h = jnp.dot(x_ref[...], w1_ref[...], preferred_element_type=_f32)
    hd = h * dinv[0:N]
    zpad = jnp.zeros((NPAD - N, H1), _f32)
    hdlo_ref[0:N, :] = hd[:, 0:H1]
    hdlo_ref[N:NPAD, :] = zpad
    hdhi_ref[0:N, :] = hd[:, H1:D1]
    hdhi_ref[N:NPAD, :] = zpad


_tc1 = pl.pallas_call(
    _tc1_body,
    out_shape=(
        jax.ShapeDtypeStruct((NPAD, H1), _f32),
        jax.ShapeDtypeStruct((NPAD, H1), _f32),
        jax.ShapeDtypeStruct((NPAD, 1), _f32),
    ),
)


def _norm1_body(acclo, acchi, hdlo, hdhi, dinv_ref, b_ref, w_ref, bias_ref,
                ms_ref, w2_ref, hd2_ref):
    dinv = dinv_ref[...]
    zlo = dinv * (acclo[...] + hdlo[...])
    zhi = dinv * (acchi[...] + hdhi[...])
    z = jnp.concatenate([zlo, zhi], axis=1)[0:N] + b_ref[...]
    mean = jnp.mean(z, axis=0, keepdims=True)
    cent = z - mean * ms_ref[...]
    var = jnp.mean(cent * cent, axis=0, keepdims=True)
    y = w_ref[...] * cent * lax.rsqrt(var + EPS) + bias_ref[...]
    y = jnp.maximum(y, 0.0)
    h2 = jnp.dot(y, w2_ref[...], preferred_element_type=_f32)
    hd2_ref[0:N, :] = h2 * dinv[0:N]
    hd2_ref[N:NPAD, :] = jnp.zeros((NPAD - N, D2), _f32)


_norm1 = pl.pallas_call(
    _norm1_body,
    out_shape=jax.ShapeDtypeStruct((NPAD, D2), _f32),
)


def _norm2_body(part0, part1, hd2, dinv_ref, b_ref, w_ref, bias_ref, ms_ref,
                out_ref):
    dinv = dinv_ref[...]
    acc = part0[...] + part1[...] + hd2[...]
    z = (dinv * acc)[0:N] + b_ref[...]
    mean = jnp.mean(z, axis=0, keepdims=True)
    cent = z - mean * ms_ref[...]
    var = jnp.mean(cent * cent, axis=0, keepdims=True)
    y = w_ref[...] * cent * lax.rsqrt(var + EPS) + bias_ref[...]
    out_ref[...] = jnp.maximum(y, 0.0)


_norm2 = pl.pallas_call(
    _norm2_body,
    out_shape=jax.ShapeDtypeStruct((N, D2), _f32),
)


def kernel(x, edge_index, W1, b1, gn1_w, gn1_b, gn1_ms, W2, b2, gn2_w, gn2_b, gn2_ms):
    ei = edge_index.astype(jnp.int32)
    pad = N + jnp.arange(EPAD - E, dtype=jnp.int32) % (NPAD - N)
    src2d = jnp.concatenate([ei[0], pad]).reshape(ECHUNKS, CH)
    dst2d = jnp.concatenate([ei[1], pad]).reshape(ECHUNKS, CH)

    ones128 = jnp.ones((CH, 128), _f32)
    z128 = jnp.zeros((NPAD, 128), _f32)

    p0, p1 = _deg_kernel(dst2d, ones128, z128)
    hd1lo, hd1hi, dinv = _tc1(x, W1, p0, p1)
    acc1lo, acc1hi = _agg_l1(src2d, dst2d, hd1lo, hd1hi, z128)
    hd2 = _norm1(acc1lo, acc1hi, hd1lo, hd1hi, dinv,
                 b1.reshape(1, D1), gn1_w.reshape(1, D1),
                 gn1_b.reshape(1, D1), gn1_ms.reshape(1, D1), W2)
    part0, part1 = _agg_l2(src2d, dst2d, hd2, z128)
    out = _norm2(part0, part1, hd2, dinv,
                 b2.reshape(1, D2), gn2_w.reshape(1, D2),
                 gn2_b.reshape(1, D2), gn2_ms.reshape(1, D2))
    return out

# --- scband reference (transcript-rebuilt; emitter-appended) ---
"""Pipeline reference for scband-grace-34333968564694 (READ-ONLY COPY).

The authoritative reference and input builder live on the scoring server;
editing this copy changes nothing except your own understanding.
"""

import jax, jax.numpy as jnp
import numpy as np

N_NODES = 10000
N_EDGES = 320000
D_IN = 128
D_HID = 256  # 2 * out_channels for first layer
D_OUT = 128


def gcn_conv(x, edge_index, W, b, num_nodes):
    src = edge_index[0]
    dst = edge_index[1]
    loop = jnp.arange(num_nodes, dtype=src.dtype)
    src = jnp.concatenate([src, loop])
    dst = jnp.concatenate([dst, loop])
    deg = jnp.zeros((num_nodes,), x.dtype).at[dst].add(1.0)
    dinv = jnp.where(deg > 0, deg ** -0.5, 0.0)
    norm = dinv[src] * dinv[dst]
    h = x @ W
    msg = h[src] * norm[:, None]
    out = jnp.zeros((num_nodes, W.shape[1]), x.dtype).at[dst].add(msg)
    return out + b


def graph_norm(x, weight, bias, mean_scale, eps=1e-5):
    mean = x.mean(axis=0, keepdims=True)
    out = x - mean * mean_scale
    var = (out ** 2).mean(axis=0, keepdims=True)
    return weight * out / jnp.sqrt(var + eps) + bias


def setup_inputs(seed: int = 0) -> dict:
    key = jax.random.key(seed)
    ks = jax.random.split(key, 8)
    x = jax.random.normal(ks[0], (N_NODES, D_IN), dtype=jnp.float32)
    edge_index = jax.random.randint(ks[1], (2, N_EDGES), 0, N_NODES, dtype=jnp.int64)
    W1 = jax.random.normal(ks[2], (D_IN, D_HID), dtype=jnp.float32) * (1.0 / np.sqrt(D_IN))
    b1 = jnp.zeros((D_HID,), jnp.float32)
    gn1_w = jnp.ones((D_HID,), jnp.float32)
    gn1_b = jnp.zeros((D_HID,), jnp.float32)
    gn1_ms = jnp.ones((D_HID,), jnp.float32)
    W2 = jax.random.normal(ks[3], (D_HID, D_OUT), dtype=jnp.float32) * (1.0 / np.sqrt(D_HID))
    b2 = jnp.zeros((D_OUT,), jnp.float32)
    gn2_w = jnp.ones((D_OUT,), jnp.float32)
    gn2_b = jnp.zeros((D_OUT,), jnp.float32)
    gn2_ms = jnp.ones((D_OUT,), jnp.float32)
    return {"x": x, "edge_index": edge_index, "W1": W1, "b1": b1,
            "gn1_w": gn1_w, "gn1_b": gn1_b, "gn1_ms": gn1_ms,
            "W2": W2, "b2": b2, "gn2_w": gn2_w, "gn2_b": gn2_b, "gn2_ms": gn2_ms}


def reference(x, edge_index, W1, b1, gn1_w, gn1_b, gn1_ms, W2, b2, gn2_w, gn2_b, gn2_ms):
    # GRACE.forward = Encoder.forward (non-skip, k=2, base_model=GCNConv, activation=relu)
    h = gcn_conv(x, edge_index, W1, b1, N_NODES)
    h = graph_norm(h, gn1_w, gn1_b, gn1_ms)
    h = jax.nn.relu(h)
    h = gcn_conv(h, edge_index, W2, b2, N_NODES)
    h = graph_norm(h, gn2_w, gn2_b, gn2_ms)
    h = jax.nn.relu(h)
    return h

if __name__ == "__main__":
    import jax
    _d = setup_inputs()
    print(jax.jit(kernel)(*tuple(_d.values())))

</pallas_src>

<mosaic_0001>
#map = affine_map<(d0, d1) -> (0, 0)>
module attributes {stable_mosaic.version = 14 : i64} {
  func.func @_agg_l2(%arg0: i32, %arg1: i32, %arg2: memref<2560x128xi32, #tpu.memory_space<hbm>>, %arg3: memref<2560x128xi32, #tpu.memory_space<hbm>>, %arg4: memref<10112x128xf32, #tpu.memory_space<hbm>>, %arg5: memref<10112x128xf32, #tpu.memory_space<hbm>>, %arg6: memref<10112x128xf32, #tpu.memory_space<hbm>>, %arg7: memref<10112x128xf32, #tpu.memory_space<hbm>>, %arg8: memref<40x128xi32, #tpu.memory_space<vmem>>, %arg9: memref<40x128xi32, #tpu.memory_space<vmem>>, %arg10: memref<128x128xf32, #tpu.memory_space<vmem>>, %arg11: memref<128x128xf32, #tpu.memory_space<vmem>>, %arg12: memref<10112x128xf32, #tpu.memory_space<vmem_shared>>, %arg13: memref<!tpu.dma_semaphore, #tpu.memory_space<semaphore_mem>>, %arg14: memref<!tpu.dma_semaphore, #tpu.memory_space<semaphore_mem>>) attributes {dimension_semantics = [#tpu.dimension_semantics<core_parallel>, #tpu.dimension_semantics<subcore_parallel>], iteration_bounds = array<i64: 2, 16>, scalar_prefetch = 0 : i64, scratch_operands = 7 : i64, tpu.core_type = #tpu.core_type<sc_vector_subcore>, window_params = [{transform_indices = #map}, {transform_indices = #map}, {transform_indices = #map}, {transform_indices = #map}, {transform_indices = #map}, {transform_indices = #map}]} {
    %mul3A = arith.constant 632 : i32
    %mul3A_0 = arith.muli %arg1, %mul3A : i32
    %multiple_of3A = tpu.assume_multiple %mul3A_0, 8 : i32
    "tpu.region"() ({
      %run_scoped3A = tpu.sem_alloc : memref<!tpu.dma_semaphore, #tpu.memory_space<semaphore_mem>>
      %dma_start3A = arith.constant 0 : i32
      %dma_start3A_19 = tpu.memref_slice %arg12[%multiple_of3A, %dma_start3A] : memref<10112x128xf32, #tpu.memory_space<vmem_shared>> -> memref<632x128xf32, #tpu.memory_space<vmem_shared>>
      %dma_start3A_20 = arith.constant 0 : i32
      %dma_start3A_21 = tpu.memref_slice %arg5[%multiple_of3A, %dma_start3A_20] : memref<10112x128xf32, #tpu.memory_space<hbm>> -> memref<632x128xf32, #tpu.memory_space<hbm>>
      tpu.enqueue_dma source(%dma_start3A_21 : memref<632x128xf32, #tpu.memory_space<hbm>>) target(%dma_start3A_19 : memref<632x128xf32, #tpu.memory_space<vmem_shared>>) target_semaphore(%run_scoped3A : memref<!tpu.dma_semaphore, #tpu.memory_space<semaphore_mem>>)
      %dma_wait3A = arith.constant 0 : i32
      %dma_wait3A_22 = tpu.memref_slice %arg12[%multiple_of3A, %dma_wait3A] : memref<10112x128xf32, #tpu.memory_space<vmem_shared>> -> memref<632x128xf32, #tpu.memory_space<vmem_shared>>
      %dma_wait3A_23 = arith.constant 0 : i32
      %dma_wait3A_24 = tpu.memref_slice %arg5[%multiple_of3A, %dma_wait3A_23] : memref<10112x128xf32, #tpu.memory_space<hbm>> -> memref<632x128xf32, #tpu.memory_space<hbm>>
      tpu.wait_dma2 semaphore(%run_scoped3A : memref<!tpu.dma_semaphore, #tpu.memory_space<semaphore_mem>>) src(%dma_wait3A_24 : memref<632x128xf32, #tpu.memory_space<hbm>>) dst(%dma_wait3A_22 : memref<632x128xf32, #tpu.memory_space<vmem_shared>>)
      tpu.yield
    }) : () -> ()
    %mul3A_1 = arith.constant 1280 : i32
    %mul3A_2 = arith.muli %arg0, %mul3A_1 : i32
    %mul3A_3 = arith.constant 80 : i32
    %mul3A_4 = arith.muli %arg1, %mul3A_3 : i32
    %add3A = arith.addi %mul3A_2, %mul3A_4 : i32
    %multiple_of3A_5 = tpu.assume_multiple %add3A, 8 : i32
    %barrier3A = arith.constant 0 : index
    tpu.barrier barrier_id(%barrier3A)
    %scan3A = arith.constant 0 : i32
    %scan3A_6 = arith.constant 0 : i32
    %scan3A_7 = arith.constant 2 : i32
    %scan3A_8 = arith.addi %scan3A_6, %scan3A_7 : i32
    %scan3A_9 = arith.constant 1 : i32
    scf.for %scan3A_19 = %scan3A_6 to %scan3A_8 step %scan3A_9  : i32 {
      %mul3A_20 = arith.constant 40 : i32
      %mul3A_21 = arith.muli %scan3A_19, %mul3A_20 : i32
      %add3A_22 = arith.addi %multiple_of3A_5, %mul3A_21 : i32
      %multiple_of3A_23 = tpu.assume_multiple %add3A_22, 8 : i32
      "tpu.region"() ({
        %run_scoped3A = tpu.sem_alloc : memref<!tpu.dma_semaphore, #tpu.memory_space<semaphore_mem>>
        %dma_start3A_36 = arith.constant 0 : i32
        %dma_start3A_37 = tpu.memref_slice %arg2[%multiple_of3A_23, %dma_start3A_36] : memref<2560x128xi32, #tpu.memory_space<hbm>> -> memref<40x128xi32, #tpu.memory_space<hbm>>
        %dma_start3A_38 = arith.constant 0 : i32
        %dma_start3A_39 = tpu.memref_slice %arg2[%multiple_of3A_23, %dma_start3A_38] : memref<2560x128xi32, #tpu.memory_space<hbm>> -> memref<40x128xi32, #tpu.memory_space<hbm>>
        tpu.enqueue_dma source(%dma_start3A_39 : memref<40x128xi32, #tpu.memory_space<hbm>>) target(%arg8 : memref<40x128xi32, #tpu.memory_space<vmem>>) target_semaphore(%run_scoped3A : memref<!tpu.dma_semaphore, #tpu.memory_space<semaphore_mem>>)
        %dma_wait3A = arith.constant 0 : i32
        %dma_wait3A_40 = tpu.memref_slice %arg2[%multiple_of3A_23, %dma_wait3A] : memref<2560x128xi32, #tpu.memory_space<hbm>> -> memref<40x128xi32, #tpu.memory_space<hbm>>
        %dma_wait3A_41 = arith.constant 0 : i32
        %dma_wait3A_42 = tpu.memref_slice %arg2[%multiple_of3A_23, %dma_wait3A_41] : memref<2560x128xi32, #tpu.memory_space<hbm>> -> memref<40x128xi32, #tpu.memory_space<hbm>>
        tpu.wait_dma2 semaphore(%run_scoped3A : memref<!tpu.dma_semaphore, #tpu.memory_space<semaphore_mem>>) src(%dma_wait3A_42 : memref<40x128xi32, #tpu.memory_space<hbm>>) dst(%arg8 : memref<40x128xi32, #tpu.memory_space<vmem>>)
        tpu.yield
      }) : () -> ()
      "tpu.region"() ({
        %run_scoped3A = tpu.sem_alloc : memref<!tpu.dma_semaphore, #tpu.memory_space<semaphore_mem>>
        %dma_start3A_36 = arith.constant 0 : i32
        %dma_start3A_37 = tpu.memref_slice %arg3[%multiple_of3A_23, %dma_start3A_36] : memref<2560x128xi32, #tpu.memory_space<hbm>> -> memref<40x128xi32, #tpu.memory_space<hbm>>
        %dma_start3A_38 = arith.constant 0 : i32
        %dma_start3A_39 = tpu.memref_slice %arg3[%multiple_of3A_23, %dma_start3A_38] : memref<2560x128xi32, #tpu.memory_space<hbm>> -> memref<40x128xi32, #tpu.memory_space<hbm>>
        tpu.enqueue_dma source(%dma_start3A_39 : memref<40x128xi32, #tpu.memory_space<hbm>>) target(%arg9 : memref<40x128xi32, #tpu.memory_space<vmem>>) target_semaphore(%run_scoped3A : memref<!tpu.dma_semaphore, #tpu.memory_space<semaphore_mem>>)
        %dma_wait3A = arith.constant 0 : i32
        %dma_wait3A_40 = tpu.memref_slice %arg3[%multiple_of3A_23, %dma_wait3A] : memref<2560x128xi32, #tpu.memory_space<hbm>> -> memref<40x128xi32, #tpu.memory_space<hbm>>
        %dma_wait3A_41 = arith.constant 0 : i32
        %dma_wait3A_42 = tpu.memref_slice %arg3[%multiple_of3A_23, %dma_wait3A_41] : memref<2560x128xi32, #tpu.memory_space<hbm>> -> memref<40x128xi32, #tpu.memory_space<hbm>>
        tpu.wait_dma2 semaphore(%run_scoped3A : memref<!tpu.dma_semaphore, #tpu.memory_space<semaphore_mem>>) src(%dma_wait3A_42 : memref<40x128xi32, #tpu.memory_space<hbm>>) dst(%arg9 : memref<40x128xi32, #tpu.memory_space<vmem>>)
        tpu.yield
      }) : () -> ()
      %dma_start3A = arith.constant 0 : i32
      %dma_start3A_24 = arith.constant 0 : i32
      %dma_start3A_25 = tpu.memref_slice %arg8[%dma_start3A, %dma_start3A_24] : memref<40x128xi32, #tpu.memory_space<vmem>> -> memref<1x128xi32, #tpu.memory_space<vmem>>
      %dma_start3A_26 = tpu.memref_squeeze %dma_start3A_25 : memref<1x128xi32, #tpu.memory_space<vmem>> -> memref<128xi32, #tpu.memory_space<vmem>>
      %dma_start3A_27 = arith.constant 0 : i32
      %dma_start3A_28 = arith.constant 0 : i32
      %dma_start3A_29 = tpu.memref_slice %arg4[%dma_start3A_27, %dma_start3A_28] : memref<10112x128xf32, #tpu.memory_space<hbm>> -> memref<10112x128xf32, #tpu.memory_space<hbm>>
      tpu.enqueue_indirect_dma source(%dma_start3A_29 : memref<10112x128xf32, #tpu.memory_space<hbm>>) target(%arg10 : memref<128x128xf32, #tpu.memory_space<vmem>>) offsets(%dma_start3A_26 : memref<128xi32, #tpu.memory_space<vmem>>) semaphore(%arg13 : memref<!tpu.dma_semaphore, #tpu.memory_space<semaphore_mem>>)
      %scan3A_30 = arith.constant 0 : i32
      %scan3A_31 = arith.constant 0 : i32
      %scan3A_32 = arith.constant 20 : i32
      %scan3A_33 = arith.addi %scan3A_31, %scan3A_32 : i32
      %scan3A_34 = arith.constant 1 : i32
      scf.for %scan3A_36 = %scan3A_31 to %scan3A_33 step %scan3A_34  : i32 {
        %mul3A_37 = arith.constant 2 : i32
        %mul3A_38 = arith.muli %mul3A_37, %scan3A_36 : i32
        %add3A_39 = arith.constant 1 : i32
        %add3A_40 = arith.addi %mul3A_38, %add3A_39 : i32
        %dma_start3A_41 = arith.constant 0 : i32
        %dma_start3A_42 = tpu.memref_slice %arg8[%add3A_40, %dma_start3A_41] : memref<40x128xi32, #tpu.memory_space<vmem>> -> memref<1x128xi32, #tpu.memory_space<vmem>>
        %dma_start3A_43 = tpu.memref_squeeze %dma_start3A_42 : memref<1x128xi32, #tpu.memory_space<vmem>> -> memref<128xi32, #tpu.memory_space<vmem>>
        %dma_start3A_44 = arith.constant 0 : i32
        %dma_start3A_45 = arith.constant 0 : i32
        %dma_start3A_46 = tpu.memref_slice %arg4[%dma_start3A_44, %dma_start3A_45] : memref<10112x128xf32, #tpu.memory_space<hbm>> -> memref<10112x128xf32, #tpu.memory_space<hbm>>
        tpu.enqueue_indirect_dma source(%dma_start3A_46 : memref<10112x128xf32, #tpu.memory_space<hbm>>) target(%arg11 : memref<128x128xf32, #tpu.memory_space<vmem>>) offsets(%dma_start3A_43 : memref<128xi32, #tpu.memory_space<vmem>>) semaphore(%arg14 : memref<!tpu.dma_semaphore, #tpu.memory_space<semaphore_mem>>)
        %dma_wait3A = arith.constant 0 : i32
        %dma_wait3A_47 = tpu.memref_slice %arg8[%mul3A_38, %dma_wait3A] : memref<40x128xi32, #tpu.memory_space<vmem>> -> memref<1x128xi32, #tpu.memory_space<vmem>>
        %dma_wait3A_48 = tpu.memref_squeeze %dma_wait3A_47 : memref<1x128xi32, #tpu.memory_space<vmem>> -> memref<128xi32, #tpu.memory_space<vmem>>
        %dma_wait3A_49 = arith.constant 0 : i32
        %dma_wait3A_50 = arith.constant 0 : i32
        %dma_wait3A_51 = tpu.memref_slice %arg4[%dma_wait3A_49, %dma_wait3A_50] : memref<10112x128xf32, #tpu.memory_space<hbm>> -> memref<10112x128xf32, #tpu.memory_space<hbm>>
        tpu.wait_indirect_dma semaphore(%arg13 : memref<!tpu.dma_semaphore, #tpu.memory_space<semaphore_mem>>) src(%dma_wait3A_51 : memref<10112x128xf32, #tpu.memory_space<hbm>>) dst(%arg10 : memref<128x128xf32, #tpu.memory_space<vmem>>)
        "tpu.region"() ({
          %run_scoped3A = tpu.sem_alloc : memref<!tpu.dma_semaphore, #tpu.memory_space<semaphore_mem>>
          %dma_start3A_64 = arith.constant 0 : i32
          %dma_start3A_65 = tpu.memref_slice %arg9[%mul3A_38, %dma_start3A_64] : memref<40x128xi32, #tpu.memory_space<vmem>> -> memref<1x128xi32, #tpu.memory_space<vmem>>
          %dma_start3A_66 = tpu.memref_squeeze %dma_start3A_65 : memref<1x128xi32, #tpu.memory_space<vmem>> -> memref<128xi32, #tpu.memory_space<vmem>>
          %dma_start3A_67 = arith.constant 0 : i32
          %dma_start3A_68 = arith.constant 0 : i32
          %dma_start3A_69 = tpu.memref_slice %arg12[%dma_start3A_67, %dma_start3A_68] : memref<10112x128xf32, #tpu.memory_space<vmem_shared>> -> memref<10112x128xf32, #tpu.memory_space<vmem_shared>>
          tpu.enqueue_indirect_dma source(%arg10 : memref<128x128xf32, #tpu.memory_space<vmem>>) target(%dma_start3A_69 : memref<10112x128xf32, #tpu.memory_space<vmem_shared>>) offsets(%dma_start3A_66 : memref<128xi32, #tpu.memory_space<vmem>>) semaphore(%run_scoped3A : memref<!tpu.dma_semaphore, #tpu.memory_space<semaphore_mem>>) {add = true}
          %dma_wait3A_70 = arith.constant 0 : i32
          %dma_wait3A_71 = tpu.memref_slice %arg9[%mul3A_38, %dma_wait3A_70] : memref<40x128xi32, #tpu.memory_space<vmem>> -> memref<1x128xi32, #tpu.memory_space<vmem>>
          %dma_wait3A_72 = tpu.memref_squeeze %dma_wait3A_71 : memref<1x128xi32, #tpu.memory_space<vmem>> -> memref<128xi32, #tpu.memory_space<vmem>>
          %dma_wait3A_73 = arith.constant 0 : i32
          %dma_wait3A_74 = arith.constant 0 : i32
          %dma_wait3A_75 = tpu.memref_slice %arg12[%dma_wait3A_73, %dma_wait3A_74] : memref<10112x128xf32, #tpu.memory_space<vmem_shared>> -> memref<10112x128xf32, #tpu.memory_space<vmem_shared>>
          tpu.wait_indirect_dma semaphore(%run_scoped3A : memref<!tpu.dma_semaphore, #tpu.memory_space<semaphore_mem>>) src(%arg10 : memref<128x128xf32, #tpu.memory_space<vmem>>) dst(%dma_wait3A_75 : memref<10112x128xf32, #tpu.memory_space<vmem_shared>>)
          tpu.yield
        }) : () -> ()
        %add3A_52 = arith.constant 2 : i32
        %add3A_53 = arith.addi %mul3A_38, %add3A_52 : i32
        %lt3A = arith.constant 40 : i32
        %lt3A_54 = arith.cmpi slt, %add3A_53, %lt3A : i32
        %convert_element_type3A_55 = arith.extui %lt3A_54 : i1 to i32
        %cond3A_56 = arith.constant 0 : i32
        %cond3A_57 = arith.cmpi ne, %convert_element_type3A_55, %cond3A_56 : i32
        scf.if %cond3A_57 {
          %add3A_64 = arith.constant 2 : i32
          %add3A_65 = arith.addi %mul3A_38, %add3A_64 : i32
          %dma_start3A_66 = arith.constant 0 : i32
          %dma_start3A_67 = tpu.memref_slice %arg8[%add3A_65, %dma_start3A_66] : memref<40x128xi32, #tpu.memory_space<vmem>> -> memref<1x128xi32, #tpu.memory_space<vmem>>
          %dma_start3A_68 = tpu.memref_squeeze %dma_start3A_67 : memref<1x128xi32, #tpu.memory_space<vmem>> -> memref<128xi32, #tpu.memory_space<vmem>>
          %dma_start3A_69 = arith.constant 0 : i32
          %dma_start3A_70 = arith.constant 0 : i32
          %dma_start3A_71 = tpu.memref_slice %arg4[%dma_start3A_69, %dma_start3A_70] : memref<10112x128xf32, #tpu.memory_space<hbm>> -> memref<10112x128xf32, #tpu.memory_space<hbm>>
          tpu.enqueue_indirect_dma source(%dma_start3A_71 : memref<10112x128xf32, #tpu.memory_space<hbm>>) target(%arg10 : memref<128x128xf32, #tpu.memory_space<vmem>>) offsets(%dma_start3A_68 : memref<128xi32, #tpu.memory_space<vmem>>) semaphore(%arg13 : memref<!tpu.dma_semaphore, #tpu.memory_space<semaphore_mem>>)
        } else {
        }
        %dma_wait3A_58 = arith.constant 0 : i32
        %dma_wait3A_59 = tpu.memref_slice %arg8[%add3A_40, %dma_wait3A_58] : memref<40x128xi32, #tpu.memory_space<vmem>> -> memref<1x128xi32, #tpu.memory_space<vmem>>
        %dma_wait3A_60 = tpu.memref_squeeze %dma_wait3A_59 : memref<1x128xi32, #tpu.memory_space<vmem>> -> memref<128xi32, #tpu.memory_space<vmem>>
        %dma_wait3A_61 = arith.constant 0 : i32
        %dma_wait3A_62 = arith.constant 0 : i32
        %dma_wait3A_63 = tpu.memref_slice %arg4[%dma_wait3A_61, %dma_wait3A_62] : memref<10112x128xf32, #tpu.memory_space<hbm>> -> memref<10112x128xf32, #tpu.memory_space<hbm>>
        tpu.wait_indirect_dma semaphore(%arg14 : memref<!tpu.dma_semaphore, #tpu.memory_space<semaphore_mem>>) src(%dma_wait3A_63 : memref<10112x128xf32, #tpu.memory_space<hbm>>) dst(%arg11 : memref<128x128xf32, #tpu.memory_space<vmem>>)
        "tpu.region"() ({
          %run_scoped3A = tpu.sem_alloc : memref<!tpu.dma_semaphore, #tpu.memory_space<semaphore_mem>>
          %dma_start3A_64 = arith.constant 0 : i32
          %dma_start3A_65 = tpu.memref_slice %arg9[%add3A_40, %dma_start3A_64] : memref<40x128xi32, #tpu.memory_space<vmem>> -> memref<1x128xi32, #tpu.memory_space<vmem>>
          %dma_start3A_66 = tpu.memref_squeeze %dma_start3A_65 : memref<1x128xi32, #tpu.memory_space<vmem>> -> memref<128xi32, #tpu.memory_space<vmem>>
          %dma_start3A_67 = arith.constant 0 : i32
          %dma_start3A_68 = arith.constant 0 : i32
          %dma_start3A_69 = tpu.memref_slice %arg12[%dma_start3A_67, %dma_start3A_68] : memref<10112x128xf32, #tpu.memory_space<vmem_shared>> -> memref<10112x128xf32, #tpu.memory_space<vmem_shared>>
          tpu.enqueue_indirect_dma source(%arg11 : memref<128x128xf32, #tpu.memory_space<vmem>>) target(%dma_start3A_69 : memref<10112x128xf32, #tpu.memory_space<vmem_shared>>) offsets(%dma_start3A_66 : memref<128xi32, #tpu.memory_space<vmem>>) semaphore(%run_scoped3A : memref<!tpu.dma_semaphore, #tpu.memory_space<semaphore_mem>>) {add = true}
          %dma_wait3A_70 = arith.constant 0 : i32
          %dma_wait3A_71 = tpu.memref_slice %arg9[%add3A_40, %dma_wait3A_70] : memref<40x128xi32, #tpu.memory_space<vmem>> -> memref<1x128xi32, #tpu.memory_space<vmem>>
          %dma_wait3A_72 = tpu.memref_squeeze %dma_wait3A_71 : memref<1x128xi32, #tpu.memory_space<vmem>> -> memref<128xi32, #tpu.memory_space<vmem>>
          %dma_wait3A_73 = arith.constant 0 : i32
          %dma_wait3A_74 = arith.constant 0 : i32
          %dma_wait3A_75 = tpu.memref_slice %arg12[%dma_wait3A_73, %dma_wait3A_74] : memref<10112x128xf32, #tpu.memory_space<vmem_shared>> -> memref<10112x128xf32, #tpu.memory_space<vmem_shared>>
          tpu.wait_indirect_dma semaphore(%run_scoped3A : memref<!tpu.dma_semaphore, #tpu.memory_space<semaphore_mem>>) src(%arg11 : memref<128x128xf32, #tpu.memory_space<vmem>>) dst(%dma_wait3A_75 : memref<10112x128xf32, #tpu.memory_space<vmem_shared>>)
          tpu.yield
        }) : () -> ()
      }
      %scan3A_35 = arith.constant 20 : i32
    }
    %scan3A_10 = arith.constant 2 : i32
    %barrier3A_11 = arith.constant 0 : index
    tpu.barrier barrier_id(%barrier3A_11)
    %eq3A = arith.constant 0 : i32
    %eq3A_12 = arith.cmpi eq, %arg0, %eq3A : i32
    %convert_element_type3A = arith.extui %eq3A_12 : i1 to i32
    %cond3A = arith.constant 0 : i32
    %cond3A_13 = arith.cmpi ne, %convert_element_type3A, %cond3A : i32
    scf.if %cond3A_13 {
      "tpu.region"() ({
        %run_scoped3A = tpu.sem_alloc : memref<!tpu.dma_semaphore, #tpu.memory_space<semaphore_mem>>
        %dma_start3A = arith.constant 0 : i32
        %dma_start3A_19 = tpu.memref_slice %arg6[%multiple_of3A, %dma_start3A] : memref<10112x128xf32, #tpu.memory_space<hbm>> -> memref<632x128xf32, #tpu.memory_space<hbm>>
        %dma_start3A_20 = arith.constant 0 : i32
        %dma_start3A_21 = tpu.memref_slice %arg12[%multiple_of3A, %dma_start3A_20] : memref<10112x128xf32, #tpu.memory_space<vmem_shared>> -> memref<632x128xf32, #tpu.memory_space<vmem_shared>>
        tpu.enqueue_dma source(%dma_start3A_21 : memref<632x128xf32, #tpu.memory_space<vmem_shared>>) target(%dma_start3A_19 : memref<632x128xf32, #tpu.memory_space<hbm>>) target_semaphore(%run_scoped3A : memref<!tpu.dma_semaphore, #tpu.memory_space<semaphore_mem>>)
        %dma_wait3A = arith.constant 0 : i32
        %dma_wait3A_22 = tpu.memref_slice %arg6[%multiple_of3A, %dma_wait3A] : memref<10112x128xf32, #tpu.memory_space<hbm>> -> memref<632x128xf32, #tpu.memory_space<hbm>>
        %dma_wait3A_23 = arith.constant 0 : i32
        %dma_wait3A_24 = tpu.memref_slice %arg12[%multiple_of3A, %dma_wait3A_23] : memref<10112x128xf32, #tpu.memory_space<vmem_shared>> -> memref<632x128xf32, #tpu.memory_space<vmem_shared>>
        tpu.wait_dma2 semaphore(%run_scoped3A : memref<!tpu.dma_semaphore, #tpu.memory_space<semaphore_mem>>) src(%dma_wait3A_24 : memref<632x128xf32, #tpu.memory_space<vmem_shared>>) dst(%dma_wait3A_22 : memref<632x128xf32, #tpu.memory_space<hbm>>)
        tpu.yield
      }) : () -> ()
    } else {
    }
    %eq3A_14 = arith.constant 1 : i32
    %eq3A_15 = arith.cmpi eq, %arg0, %eq3A_14 : i32
    %convert_element_type3A_16 = arith.extui %eq3A_15 : i1 to i32
    %cond3A_17 = arith.constant 0 : i32
    %cond3A_18 = arith.cmpi ne, %convert_element_type3A_16, %cond3A_17 : i32
    scf.if %cond3A_18 {
      "tpu.region"() ({
        %run_scoped3A = tpu.sem_alloc : memref<!tpu.dma_semaphore, #tpu.memory_space<semaphore_mem>>
        %dma_start3A = arith.constant 0 : i32
        %dma_start3A_19 = tpu.memref_slice %arg7[%multiple_of3A, %dma_start3A] : memref<10112x128xf32, #tpu.memory_space<hbm>> -> memref<632x128xf32, #tpu.memory_space<hbm>>
        %dma_start3A_20 = arith.constant 0 : i32
        %dma_start3A_21 = tpu.memref_slice %arg12[%multiple_of3A, %dma_start3A_20] : memref<10112x128xf32, #tpu.memory_space<vmem_shared>> -> memref<632x128xf32, #tpu.memory_space<vmem_shared>>
        tpu.enqueue_dma source(%dma_start3A_21 : memref<632x128xf32, #tpu.memory_space<vmem_shared>>) target(%dma_start3A_19 : memref<632x128xf32, #tpu.memory_space<hbm>>) target_semaphore(%run_scoped3A : memref<!tpu.dma_semaphore, #tpu.memory_space<semaphore_mem>>)
        %dma_wait3A = arith.constant 0 : i32
        %dma_wait3A_22 = tpu.memref_slice %arg7[%multiple_of3A, %dma_wait3A] : memref<10112x128xf32, #tpu.memory_space<hbm>> -> memref<632x128xf32, #tpu.memory_space<hbm>>
        %dma_wait3A_23 = arith.constant 0 : i32
        %dma_wait3A_24 = tpu.memref_slice %arg12[%multiple_of3A, %dma_wait3A_23] : memref<10112x128xf32, #tpu.memory_space<vmem_shared>> -> memref<632x128xf32, #tpu.memory_space<vmem_shared>>
        tpu.wait_dma2 semaphore(%run_scoped3A : memref<!tpu.dma_semaphore, #tpu.memory_space<semaphore_mem>>) src(%dma_wait3A_24 : memref<632x128xf32, #tpu.memory_space<vmem_shared>>) dst(%dma_wait3A_22 : memref<632x128xf32, #tpu.memory_space<hbm>>)
        tpu.yield
      }) : () -> ()
    } else {
    }
    return
  }
}

#map = affine_map<(d0, d1) -> (0, 0)>
module attributes {stable_mosaic.version = 14 : i64} {
  func.func @_deg_kernel(%arg0: i32, %arg1: i32, %arg2: memref<2560x128xi32, #tpu.memory_space<hbm>>, %arg3: memref<128x128xf32, #tpu.memory_space<hbm>>, %arg4: memref<10112x128xf32, #tpu.memory_space<hbm>>, %arg5: memref<10112x128xf32, #tpu.memory_space<hbm>>, %arg6: memref<10112x128xf32, #tpu.memory_space<hbm>>, %arg7: memref<80x128xi32, #tpu.memory_space<vmem>>, %arg8: memref<128x128xf32, #tpu.memory_space<vmem>>, %arg9: memref<10112x128xf32, #tpu.memory_space<vmem_shared>>) attributes {dimension_semantics = [#tpu.dimension_semantics<core_parallel>, #tpu.dimension_semantics<subcore_parallel>], iteration_bounds = array<i64: 2, 16>, scalar_prefetch = 0 : i64, scratch_operands = 3 : i64, tpu.core_type = #tpu.core_type<sc_vector_subcore>, window_params = [{transform_indices = #map}, {transform_indices = #map}, {transform_indices = #map}, {transform_indices = #map}, {transform_indices = #map}]} {
    %mul3A = arith.constant 632 : i32
    %mul3A_0 = arith.muli %arg1, %mul3A : i32
    %multiple_of3A = tpu.assume_multiple %mul3A_0, 8 : i32
    "tpu.region"() ({
      %run_scoped3A = tpu.sem_alloc : memref<!tpu.dma_semaphore, #tpu.memory_space<semaphore_mem>>
      %dma_start3A = arith.constant 0 : i32
      %dma_start3A_19 = tpu.memref_slice %arg9[%multiple_of3A, %dma_start3A] : memref<10112x128xf32, #tpu.memory_space<vmem_shared>> -> memref<632x128xf32, #tpu.memory_space<vmem_shared>>
      %dma_start3A_20 = arith.constant 0 : i32
      %dma_start3A_21 = tpu.memref_slice %arg4[%multiple_of3A, %dma_start3A_20] : memref<10112x128xf32, #tpu.memory_space<hbm>> -> memref<632x128xf32, #tpu.memory_space<hbm>>
      tpu.enqueue_dma source(%dma_start3A_21 : memref<632x128xf32, #tpu.memory_space<hbm>>) target(%dma_start3A_19 : memref<632x128xf32, #tpu.memory_space<vmem_shared>>) target_semaphore(%run_scoped3A : memref<!tpu.dma_semaphore, #tpu.memory_space<semaphore_mem>>)
      %dma_wait3A = arith.constant 0 : i32
      %dma_wait3A_22 = tpu.memref_slice %arg9[%multiple_of3A, %dma_wait3A] : memref<10112x128xf32, #tpu.memory_space<vmem_shared>> -> memref<632x128xf32, #tpu.memory_space<vmem_shared>>
      %dma_wait3A_23 = arith.constant 0 : i32
      %dma_wait3A_24 = tpu.memref_slice %arg4[%multiple_of3A, %dma_wait3A_23] : memref<10112x128xf32, #tpu.memory_space<hbm>> -> memref<632x128xf32, #tpu.memory_space<hbm>>
      tpu.wait_dma2 semaphore(%run_scoped3A : memref<!tpu.dma_semaphore, #tpu.memory_space<semaphore_mem>>) src(%dma_wait3A_24 : memref<632x128xf32, #tpu.memory_space<hbm>>) dst(%dma_wait3A_22 : memref<632x128xf32, #tpu.memory_space<vmem_shared>>)
      tpu.yield
    }) : () -> ()
    "tpu.region"() ({
      %run_scoped3A = tpu.sem_alloc : memref<!tpu.dma_semaphore, #tpu.memory_space<semaphore_mem>>
      tpu.enqueue_dma source(%arg3 : memref<128x128xf32, #tpu.memory_space<hbm>>) target(%arg8 : memref<128x128xf32, #tpu.memory_space<vmem>>) target_semaphore(%run_scoped3A : memref<!tpu.dma_semaphore, #tpu.memory_space<semaphore_mem>>)
      tpu.wait_dma2 semaphore(%run_scoped3A : memref<!tpu.dma_semaphore, #tpu.memory_space<semaphore_mem>>) src(%arg3 : memref<128x128xf32, #tpu.memory_space<hbm>>) dst(%arg8 : memref<128x128xf32, #tpu.memory_space<vmem>>)
      tpu.yield
    }) : () -> ()
    %mul3A_1 = arith.constant 1280 : i32
    %mul3A_2 = arith.muli %arg0, %mul3A_1 : i32
    %mul3A_3 = arith.constant 80 : i32
    %mul3A_4 = arith.muli %arg1, %mul3A_3 : i32
    %add3A = arith.addi %mul3A_2, %mul3A_4 : i32
    %multiple_of3A_5 = tpu.assume_multiple %add3A, 8 : i32
    "tpu.region"() ({
      %run_scoped3A = tpu.sem_alloc : memref<!tpu.dma_semaphore, #tpu.memory_space<semaphore_mem>>
      %dma_start3A = arith.constant 0 : i32
      %dma_start3A_19 = tpu.memref_slice %arg2[%multiple_of3A_5, %dma_start3A] : memref<2560x128xi32, #tpu.memory_space<hbm>> -> memref<80x128xi32, #tpu.memory_space<hbm>>
      %dma_start3A_20 = arith.constant 0 : i32
      %dma_start3A_21 = tpu.memref_slice %arg2[%multiple_of3A_5, %dma_start3A_20] : memref<2560x128xi32, #tpu.memory_space<hbm>> -> memref<80x128xi32, #tpu.memory_space<hbm>>
      tpu.enqueue_dma source(%dma_start3A_21 : memref<80x128xi32, #tpu.memory_space<hbm>>) target(%arg7 : memref<80x128xi32, #tpu.memory_space<vmem>>) target_semaphore(%run_scoped3A : memref<!tpu.dma_semaphore, #tpu.memory_space<semaphore_mem>>)
      %dma_wait3A = arith.constant 0 : i32
      %dma_wait3A_22 = tpu.memref_slice %arg2[%multiple_of3A_5, %dma_wait3A] : memref<2560x128xi32, #tpu.memory_space<hbm>> -> memref<80x128xi32, #tpu.memory_space<hbm>>
      %dma_wait3A_23 = arith.constant 0 : i32
      %dma_wait3A_24 = tpu.memref_slice %arg2[%multiple_of3A_5, %dma_wait3A_23] : memref<2560x128xi32, #tpu.memory_space<hbm>> -> memref<80x128xi32, #tpu.memory_space<hbm>>
      tpu.wait_dma2 semaphore(%run_scoped3A : memref<!tpu.dma_semaphore, #tpu.memory_space<semaphore_mem>>) src(%dma_wait3A_24 : memref<80x128xi32, #tpu.memory_space<hbm>>) dst(%arg7 : memref<80x128xi32, #tpu.memory_space<vmem>>)
      tpu.yield
    }) : () -> ()
    %barrier3A = arith.constant 0 : index
    tpu.barrier barrier_id(%barrier3A)
    %scan3A = arith.constant 0 : i32
    %scan3A_6 = arith.constant 0 : i32
    %scan3A_7 = arith.constant 80 : i32
    %scan3A_8 = arith.addi %scan3A_6, %scan3A_7 : i32
    %scan3A_9 = arith.constant 1 : i32
    scf.for %scan3A_19 = %scan3A_6 to %scan3A_8 step %scan3A_9  : i32 {
      "tpu.region"() ({
        %run_scoped3A = tpu.sem_alloc : memref<!tpu.dma_semaphore, #tpu.memory_space<semaphore_mem>>
        %dma_start3A = arith.constant 0 : i32
        %dma_start3A_20 = tpu.memref_slice %arg7[%scan3A_19, %dma_start3A] : memref<80x128xi32, #tpu.memory_space<vmem>> -> memref<1x128xi32, #tpu.memory_space<vmem>>
        %dma_start3A_21 = tpu.memref_squeeze %dma_start3A_20 : memref<1x128xi32, #tpu.memory_space<vmem>> -> memref<128xi32, #tpu.memory_space<vmem>>
        %dma_start3A_22 = arith.constant 0 : i32
        %dma_start3A_23 = arith.constant 0 : i32
        %dma_start3A_24 = tpu.memref_slice %arg9[%dma_start3A_22, %dma_start3A_23] : memref<10112x128xf32, #tpu.memory_space<vmem_shared>> -> memref<10112x128xf32, #tpu.memory_space<vmem_shared>>
        tpu.enqueue_indirect_dma source(%arg8 : memref<128x128xf32, #tpu.memory_space<vmem>>) target(%dma_start3A_24 : memref<10112x128xf32, #tpu.memory_space<vmem_shared>>) offsets(%dma_start3A_21 : memref<128xi32, #tpu.memory_space<vmem>>) semaphore(%run_scoped3A : memref<!tpu.dma_semaphore, #tpu.memory_space<semaphore_mem>>) {add = true}
        %dma_wait3A = arith.constant 0 : i32
        %dma_wait3A_25 = tpu.memref_slice %arg7[%scan3A_19, %dma_wait3A] : memref<80x128xi32, #tpu.memory_space<vmem>> -> memref<1x128xi32, #tpu.memory_space<vmem>>
        %dma_wait3A_26 = tpu.memref_squeeze %dma_wait3A_25 : memref<1x128xi32, #tpu.memory_space<vmem>> -> memref<128xi32, #tpu.memory_space<vmem>>
        %dma_wait3A_27 = arith.constant 0 : i32
        %dma_wait3A_28 = arith.constant 0 : i32
        %dma_wait3A_29 = tpu.memref_slice %arg9[%dma_wait3A_27, %dma_wait3A_28] : memref<10112x128xf32, #tpu.memory_space<vmem_shared>> -> memref<10112x128xf32, #tpu.memory_space<vmem_shared>>
        tpu.wait_indirect_dma semaphore(%run_scoped3A : memref<!tpu.dma_semaphore, #tpu.memory_space<semaphore_mem>>) src(%arg8 : memref<128x128xf32, #tpu.memory_space<vmem>>) dst(%dma_wait3A_29 : memref<10112x128xf32, #tpu.memory_space<vmem_shared>>)
        tpu.yield
      }) : () -> ()
    }
    %scan3A_10 = arith.constant 80 : i32
    %barrier3A_11 = arith.constant 0 : index
    tpu.barrier barrier_id(%barrier3A_11)
    %eq3A = arith.constant 0 : i32
    %eq3A_12 = arith.cmpi eq, %arg0, %eq3A : i32
    %convert_element_type3A = arith.extui %eq3A_12 : i1 to i32
    %cond3A = arith.constant 0 : i32
    %cond3A_13 = arith.cmpi ne, %convert_element_type3A, %cond3A : i32
    scf.if %cond3A_13 {
      "tpu.region"() ({
        %run_scoped3A = tpu.sem_alloc : memref<!tpu.dma_semaphore, #tpu.memory_space<semaphore_mem>>
        %dma_start3A = arith.constant 0 : i32
        %dma_start3A_19 = tpu.memref_slice %arg5[%multiple_of3A, %dma_start3A] : memref<10112x128xf32, #tpu.memory_space<hbm>> -> memref<632x128xf32, #tpu.memory_space<hbm>>
        %dma_start3A_20 = arith.constant 0 : i32
        %dma_start3A_21 = tpu.memref_slice %arg9[%multiple_of3A, %dma_start3A_20] : memref<10112x128xf32, #tpu.memory_space<vmem_shared>> -> memref<632x128xf32, #tpu.memory_space<vmem_shared>>
        tpu.enqueue_dma source(%dma_start3A_21 : memref<632x128xf32, #tpu.memory_space<vmem_shared>>) target(%dma_start3A_19 : memref<632x128xf32, #tpu.memory_space<hbm>>) target_semaphore(%run_scoped3A : memref<!tpu.dma_semaphore, #tpu.memory_space<semaphore_mem>>)
        %dma_wait3A = arith.constant 0 : i32
        %dma_wait3A_22 = tpu.memref_slice %arg5[%multiple_of3A, %dma_wait3A] : memref<10112x128xf32, #tpu.memory_space<hbm>> -> memref<632x128xf32, #tpu.memory_space<hbm>>
        %dma_wait3A_23 = arith.constant 0 : i32
        %dma_wait3A_24 = tpu.memref_slice %arg9[%multiple_of3A, %dma_wait3A_23] : memref<10112x128xf32, #tpu.memory_space<vmem_shared>> -> memref<632x128xf32, #tpu.memory_space<vmem_shared>>
        tpu.wait_dma2 semaphore(%run_scoped3A : memref<!tpu.dma_semaphore, #tpu.memory_space<semaphore_mem>>) src(%dma_wait3A_24 : memref<632x128xf32, #tpu.memory_space<vmem_shared>>) dst(%dma_wait3A_22 : memref<632x128xf32, #tpu.memory_space<hbm>>)
        tpu.yield
      }) : () -> ()
    } else {
    }
    %eq3A_14 = arith.constant 1 : i32
    %eq3A_15 = arith.cmpi eq, %arg0, %eq3A_14 : i32
    %convert_element_type3A_16 = arith.extui %eq3A_15 : i1 to i32
    %cond3A_17 = arith.constant 0 : i32
    %cond3A_18 = arith.cmpi ne, %convert_element_type3A_16, %cond3A_17 : i32
    scf.if %cond3A_18 {
      "tpu.region"() ({
        %run_scoped3A = tpu.sem_alloc : memref<!tpu.dma_semaphore, #tpu.memory_space<semaphore_mem>>
        %dma_start3A = arith.constant 0 : i32
        %dma_start3A_19 = tpu.memref_slice %arg6[%multiple_of3A, %dma_start3A] : memref<10112x128xf32, #tpu.memory_space<hbm>> -> memref<632x128xf32, #tpu.memory_space<hbm>>
        %dma_start3A_20 = arith.constant 0 : i32
        %dma_start3A_21 = tpu.memref_slice %arg9[%multiple_of3A, %dma_start3A_20] : memref<10112x128xf32, #tpu.memory_space<vmem_shared>> -> memref<632x128xf32, #tpu.memory_space<vmem_shared>>
        tpu.enqueue_dma source(%dma_start3A_21 : memref<632x128xf32, #tpu.memory_space<vmem_shared>>) target(%dma_start3A_19 : memref<632x128xf32, #tpu.memory_space<hbm>>) target_semaphore(%run_scoped3A : memref<!tpu.dma_semaphore, #tpu.memory_space<semaphore_mem>>)
        %dma_wait3A = arith.constant 0 : i32
        %dma_wait3A_22 = tpu.memref_slice %arg6[%multiple_of3A, %dma_wait3A] : memref<10112x128xf32, #tpu.memory_space<hbm>> -> memref<632x128xf32, #tpu.memory_space<hbm>>
        %dma_wait3A_23 = arith.constant 0 : i32
        %dma_wait3A_24 = tpu.memref_slice %arg9[%multiple_of3A, %dma_wait3A_23] : memref<10112x128xf32, #tpu.memory_space<vmem_shared>> -> memref<632x128xf32, #tpu.memory_space<vmem_shared>>
        tpu.wait_dma2 semaphore(%run_scoped3A : memref<!tpu.dma_semaphore, #tpu.memory_space<semaphore_mem>>) src(%dma_wait3A_24 : memref<632x128xf32, #tpu.memory_space<vmem_shared>>) dst(%dma_wait3A_22 : memref<632x128xf32, #tpu.memory_space<hbm>>)
        tpu.yield
      }) : () -> ()
    } else {
    }
    return
  }
}

#map = affine_map<(d0, d1) -> (0, 0)>
module attributes {stable_mosaic.version = 14 : i64} {
  func.func @_agg_l1(%arg0: i32, %arg1: i32, %arg2: memref<2560x128xi32, #tpu.memory_space<hbm>>, %arg3: memref<2560x128xi32, #tpu.memory_space<hbm>>, %arg4: memref<10112x128xf32, #tpu.memory_space<hbm>>, %arg5: memref<10112x128xf32, #tpu.memory_space<hbm>>, %arg6: memref<10112x128xf32, #tpu.memory_space<hbm>>, %arg7: memref<10112x128xf32, #tpu.memory_space<hbm>>, %arg8: memref<10112x128xf32, #tpu.memory_space<hbm>>, %arg9: memref<40x128xi32, #tpu.memory_space<vmem>>, %arg10: memref<40x128xi32, #tpu.memory_space<vmem>>, %arg11: memref<128x128xf32, #tpu.memory_space<vmem>>, %arg12: memref<128x128xf32, #tpu.memory_space<vmem>>, %arg13: memref<10112x128xf32, #tpu.memory_space<vmem_shared>>, %arg14: memref<!tpu.dma_semaphore, #tpu.memory_space<semaphore_mem>>, %arg15: memref<!tpu.dma_semaphore, #tpu.memory_space<semaphore_mem>>) attributes {dimension_semantics = [#tpu.dimension_semantics<core_parallel>, #tpu.dimension_semantics<subcore_parallel>], iteration_bounds = array<i64: 2, 16>, scalar_prefetch = 0 : i64, scratch_operands = 7 : i64, tpu.core_type = #tpu.core_type<sc_vector_subcore>, window_params = [{transform_indices = #map}, {transform_indices = #map}, {transform_indices = #map}, {transform_indices = #map}, {transform_indices = #map}, {transform_indices = #map}, {transform_indices = #map}]} {
    %mul3A = arith.constant 632 : i32
    %mul3A_0 = arith.muli %arg1, %mul3A : i32
    %multiple_of3A = tpu.assume_multiple %mul3A_0, 8 : i32
    "tpu.region"() ({
      %run_scoped3A = tpu.sem_alloc : memref<!tpu.dma_semaphore, #tpu.memory_space<semaphore_mem>>
      %dma_start3A = arith.constant 0 : i32
      %dma_start3A_22 = tpu.memref_slice %arg13[%multiple_of3A, %dma_start3A] : memref<10112x128xf32, #tpu.memory_space<vmem_shared>> -> memref<632x128xf32, #tpu.memory_space<vmem_shared>>
      %dma_start3A_23 = arith.constant 0 : i32
      %dma_start3A_24 = tpu.memref_slice %arg6[%multiple_of3A, %dma_start3A_23] : memref<10112x128xf32, #tpu.memory_space<hbm>> -> memref<632x128xf32, #tpu.memory_space<hbm>>
      tpu.enqueue_dma source(%dma_start3A_24 : memref<632x128xf32, #tpu.memory_space<hbm>>) target(%dma_start3A_22 : memref<632x128xf32, #tpu.memory_space<vmem_shared>>) target_semaphore(%run_scoped3A : memref<!tpu.dma_semaphore, #tpu.memory_space<semaphore_mem>>)
      %dma_wait3A = arith.constant 0 : i32
      %dma_wait3A_25 = tpu.memref_slice %arg13[%multiple_of3A, %dma_wait3A] : memref<10112x128xf32, #tpu.memory_space<vmem_shared>> -> memref<632x128xf32, #tpu.memory_space<vmem_shared>>
      %dma_wait3A_26 = arith.constant 0 : i32
      %dma_wait3A_27 = tpu.memref_slice %arg6[%multiple_of3A, %dma_wait3A_26] : memref<10112x128xf32, #tpu.memory_space<hbm>> -> memref<632x128xf32, #tpu.memory_space<hbm>>
      tpu.wait_dma2 semaphore(%run_scoped3A : memref<!tpu.dma_semaphore, #tpu.memory_space<semaphore_mem>>) src(%dma_wait3A_27 : memref<632x128xf32, #tpu.memory_space<hbm>>) dst(%dma_wait3A_25 : memref<632x128xf32, #tpu.memory_space<vmem_shared>>)
      tpu.yield
    }) : () -> ()
    %mul3A_1 = arith.constant 160 : i32
    %mul3A_2 = arith.muli %arg1, %mul3A_1 : i32
    %multiple_of3A_3 = tpu.assume_multiple %mul3A_2, 8 : i32
    %barrier3A = arith.constant 0 : index
    tpu.barrier barrier_id(%barrier3A)
    %eq3A = arith.constant 0 : i32
    %eq3A_4 = arith.cmpi eq, %arg0, %eq3A : i32
    %convert_element_type3A = arith.extui %eq3A_4 : i1 to i32
    %cond3A = arith.constant 0 : i32
    %cond3A_5 = arith.cmpi ne, %convert_element_type3A, %cond3A : i32
    scf.if %cond3A_5 {
      %scan3A = arith.constant 0 : i32
      %scan3A_22 = arith.constant 0 : i32
      %scan3A_23 = arith.constant 4 : i32
      %scan3A_24 = arith.addi %scan3A_22, %scan3A_23 : i32
      %scan3A_25 = arith.constant 1 : i32
      scf.for %scan3A_27 = %scan3A_22 to %scan3A_24 step %scan3A_25  : i32 {
        %mul3A_28 = arith.constant 40 : i32
        %mul3A_29 = arith.muli %scan3A_27, %mul3A_28 : i32
        %add3A = arith.addi %multiple_of3A_3, %mul3A_29 : i32
        %multiple_of3A_30 = tpu.assume_multiple %add3A, 8 : i32
        "tpu.region"() ({
          %run_scoped3A = tpu.sem_alloc : memref<!tpu.dma_semaphore, #tpu.memory_space<semaphore_mem>>
          %dma_start3A_43 = arith.constant 0 : i32
          %dma_start3A_44 = tpu.memref_slice %arg2[%multiple_of3A_30, %dma_start3A_43] : memref<2560x128xi32, #tpu.memory_space<hbm>> -> memref<40x128xi32, #tpu.memory_space<hbm>>
          %dma_start3A_45 = arith.constant 0 : i32
          %dma_start3A_46 = tpu.memref_slice %arg2[%multiple_of3A_30, %dma_start3A_45] : memref<2560x128xi32, #tpu.memory_space<hbm>> -> memref<40x128xi32, #tpu.memory_space<hbm>>
          tpu.enqueue_dma source(%dma_start3A_46 : memref<40x128xi32, #tpu.memory_space<hbm>>) target(%arg9 : memref<40x128xi32, #tpu.memory_space<vmem>>) target_semaphore(%run_scoped3A : memref<!tpu.dma_semaphore, #tpu.memory_space<semaphore_mem>>)
          %dma_wait3A = arith.constant 0 : i32
          %dma_wait3A_47 = tpu.memref_slice %arg2[%multiple_of3A_30, %dma_wait3A] : memref<2560x128xi32, #tpu.memory_space<hbm>> -> memref<40x128xi32, #tpu.memory_space<hbm>>
          %dma_wait3A_48 = arith.constant 0 : i32
          %dma_wait3A_49 = tpu.memref_slice %arg2[%multiple_of3A_30, %dma_wait3A_48] : memref<2560x128xi32, #tpu.memory_space<hbm>> -> memref<40x128xi32, #tpu.memory_space<hbm>>
          tpu.wait_dma2 semaphore(%run_scoped3A : memref<!tpu.dma_semaphore, #tpu.memory_space<semaphore_mem>>) src(%dma_wait3A_49 : memref<40x128xi32, #tpu.memory_space<hbm>>) dst(%arg9 : memref<40x128xi32, #tpu.memory_space<vmem>>)
          tpu.yield
        }) : () -> ()
        "tpu.region"() ({
          %run_scoped3A = tpu.sem_alloc : memref<!tpu.dma_semaphore, #tpu.memory_space<semaphore_mem>>
          %dma_start3A_43 = arith.constant 0 : i32
          %dma_start3A_44 = tpu.memref_slice %arg3[%multiple_of3A_30, %dma_start3A_43] : memref<2560x128xi32, #tpu.memory_space<hbm>> -> memref<40x128xi32, #tpu.memory_space<hbm>>
          %dma_start3A_45 = arith.constant 0 : i32
          %dma_start3A_46 = tpu.memref_slice %arg3[%multiple_of3A_30, %dma_start3A_45] : memref<2560x128xi32, #tpu.memory_space<hbm>> -> memref<40x128xi32, #tpu.memory_space<hbm>>
          tpu.enqueue_dma source(%dma_start3A_46 : memref<40x128xi32, #tpu.memory_space<hbm>>) target(%arg10 : memref<40x128xi32, #tpu.memory_space<vmem>>) target_semaphore(%run_scoped3A : memref<!tpu.dma_semaphore, #tpu.memory_space<semaphore_mem>>)
          %dma_wait3A = arith.constant 0 : i32
          %dma_wait3A_47 = tpu.memref_slice %arg3[%multiple_of3A_30, %dma_wait3A] : memref<2560x128xi32, #tpu.memory_space<hbm>> -> memref<40x128xi32, #tpu.memory_space<hbm>>
          %dma_wait3A_48 = arith.constant 0 : i32
          %dma_wait3A_49 = tpu.memref_slice %arg3[%multiple_of3A_30, %dma_wait3A_48] : memref<2560x128xi32, #tpu.memory_space<hbm>> -> memref<40x128xi32, #tpu.memory_space<hbm>>
          tpu.wait_dma2 semaphore(%run_scoped3A : memref<!tpu.dma_semaphore, #tpu.memory_space<semaphore_mem>>) src(%dma_wait3A_49 : memref<40x128xi32, #tpu.memory_space<hbm>>) dst(%arg10 : memref<40x128xi32, #tpu.memory_space<vmem>>)
          tpu.yield
        }) : () -> ()
        %dma_start3A = arith.constant 0 : i32
        %dma_start3A_31 = arith.constant 0 : i32
        %dma_start3A_32 = tpu.memref_slice %arg9[%dma_start3A, %dma_start3A_31] : memref<40x128xi32, #tpu.memory_space<vmem>> -> memref<1x128xi32, #tpu.memory_space<vmem>>
        %dma_start3A_33 = tpu.memref_squeeze %dma_start3A_32 : memref<1x128xi32, #tpu.memory_space<vmem>> -> memref<128xi32, #tpu.memory_space<vmem>>
        %dma_start3A_34 = arith.constant 0 : i32
        %dma_start3A_35 = arith.constant 0 : i32
        %dma_start3A_36 = tpu.memref_slice %arg4[%dma_start3A_34, %dma_start3A_35] : memref<10112x128xf32, #tpu.memory_space<hbm>> -> memref<10112x128xf32, #tpu.memory_space<hbm>>
        tpu.enqueue_indirect_dma source(%dma_start3A_36 : memref<10112x128xf32, #tpu.memory_space<hbm>>) target(%arg11 : memref<128x128xf32, #tpu.memory_space<vmem>>) offsets(%dma_start3A_33 : memref<128xi32, #tpu.memory_space<vmem>>) semaphore(%arg14 : memref<!tpu.dma_semaphore, #tpu.memory_space<semaphore_mem>>)
        %scan3A_37 = arith.constant 0 : i32
        %scan3A_38 = arith.constant 0 : i32
        %scan3A_39 = arith.constant 20 : i32
        %scan3A_40 = arith.addi %scan3A_38, %scan3A_39 : i32
        %scan3A_41 = arith.constant 1 : i32
        scf.for %scan3A_43 = %scan3A_38 to %scan3A_40 step %scan3A_41  : i32 {
          %mul3A_44 = arith.constant 2 : i32
          %mul3A_45 = arith.muli %mul3A_44, %scan3A_43 : i32
          %add3A_46 = arith.constant 1 : i32
          %add3A_47 = arith.addi %mul3A_45, %add3A_46 : i32
          %dma_start3A_48 = arith.constant 0 : i32
          %dma_start3A_49 = tpu.memref_slice %arg9[%add3A_47, %dma_start3A_48] : memref<40x128xi32, #tpu.memory_space<vmem>> -> memref<1x128xi32, #tpu.memory_space<vmem>>
          %dma_start3A_50 = tpu.memref_squeeze %dma_start3A_49 : memref<1x128xi32, #tpu.memory_space<vmem>> -> memref<128xi32, #tpu.memory_space<vmem>>
          %dma_start3A_51 = arith.constant 0 : i32
          %dma_start3A_52 = arith.constant 0 : i32
          %dma_start3A_53 = tpu.memref_slice %arg4[%dma_start3A_51, %dma_start3A_52] : memref<10112x128xf32, #tpu.memory_space<hbm>> -> memref<10112x128xf32, #tpu.memory_space<hbm>>
          tpu.enqueue_indirect_dma source(%dma_start3A_53 : memref<10112x128xf32, #tpu.memory_space<hbm>>) target(%arg12 : memref<128x128xf32, #tpu.memory_space<vmem>>) offsets(%dma_start3A_50 : memref<128xi32, #tpu.memory_space<vmem>>) semaphore(%arg15 : memref<!tpu.dma_semaphore, #tpu.memory_space<semaphore_mem>>)
          %dma_wait3A = arith.constant 0 : i32
          %dma_wait3A_54 = tpu.memref_slice %arg9[%mul3A_45, %dma_wait3A] : memref<40x128xi32, #tpu.memory_space<vmem>> -> memref<1x128xi32, #tpu.memory_space<vmem>>
          %dma_wait3A_55 = tpu.memref_squeeze %dma_wait3A_54 : memref<1x128xi32, #tpu.memory_space<vmem>> -> memref<128xi32, #tpu.memory_space<vmem>>
          %dma_wait3A_56 = arith.constant 0 : i32
          %dma_wait3A_57 = arith.constant 0 : i32
          %dma_wait3A_58 = tpu.memref_slice %arg4[%dma_wait3A_56, %dma_wait3A_57] : memref<10112x128xf32, #tpu.memory_space<hbm>> -> memref<10112x128xf32, #tpu.memory_space<hbm>>
          tpu.wait_indirect_dma semaphore(%arg14 : memref<!tpu.dma_semaphore, #tpu.memory_space<semaphore_mem>>) src(%dma_wait3A_58 : memref<10112x128xf32, #tpu.memory_space<hbm>>) dst(%arg11 : memref<128x128xf32, #tpu.memory_space<vmem>>)
          "tpu.region"() ({
            %run_scoped3A = tpu.sem_alloc : memref<!tpu.dma_semaphore, #tpu.memory_space<semaphore_mem>>
            %dma_start3A_71 = arith.constant 0 : i32
            %dma_start3A_72 = tpu.memref_slice %arg10[%mul3A_45, %dma_start3A_71] : memref<40x128xi32, #tpu.memory_space<vmem>> -> memref<1x128xi32, #tpu.memory_space<vmem>>
            %dma_start3A_73 = tpu.memref_squeeze %dma_start3A_72 : memref<1x128xi32, #tpu.memory_space<vmem>> -> memref<128xi32, #tpu.memory_space<vmem>>
            %dma_start3A_74 = arith.constant 0 : i32
            %dma_start3A_75 = arith.constant 0 : i32
            %dma_start3A_76 = tpu.memref_slice %arg13[%dma_start3A_74, %dma_start3A_75] : memref<10112x128xf32, #tpu.memory_space<vmem_shared>> -> memref<10112x128xf32, #tpu.memory_space<vmem_shared>>
            tpu.enqueue_indirect_dma source(%arg11 : memref<128x128xf32, #tpu.memory_space<vmem>>) target(%dma_start3A_76 : memref<10112x128xf32, #tpu.memory_space<vmem_shared>>) offsets(%dma_start3A_73 : memref<128xi32, #tpu.memory_space<vmem>>) semaphore(%run_scoped3A : memref<!tpu.dma_semaphore, #tpu.memory_space<semaphore_mem>>) {add = true}
            %dma_wait3A_77 = arith.constant 0 : i32
            %dma_wait3A_78 = tpu.memref_slice %arg10[%mul3A_45, %dma_wait3A_77] : memref<40x128xi32, #tpu.memory_space<vmem>> -> memref<1x128xi32, #tpu.memory_space<vmem>>
            %dma_wait3A_79 = tpu.memref_squeeze %dma_wait3A_78 : memref<1x128xi32, #tpu.memory_space<vmem>> -> memref<128xi32, #tpu.memory_space<vmem>>
            %dma_wait3A_80 = arith.constant 0 : i32
            %dma_wait3A_81 = arith.constant 0 : i32
            %dma_wait3A_82 = tpu.memref_slice %arg13[%dma_wait3A_80, %dma_wait3A_81] : memref<10112x128xf32, #tpu.memory_space<vmem_shared>> -> memref<10112x128xf32, #tpu.memory_space<vmem_shared>>
            tpu.wait_indirect_dma semaphore(%run_scoped3A : memref<!tpu.dma_semaphore, #tpu.memory_space<semaphore_mem>>) src(%arg11 : memref<128x128xf32, #tpu.memory_space<vmem>>) dst(%dma_wait3A_82 : memref<10112x128xf32, #tpu.memory_space<vmem_shared>>)
            tpu.yield
          }) : () -> ()
          %add3A_59 = arith.constant 2 : i32
          %add3A_60 = arith.addi %mul3A_45, %add3A_59 : i32
          %lt3A = arith.constant 40 : i32
          %lt3A_61 = arith.cmpi slt, %add3A_60, %lt3A : i32
          %convert_element_type3A_62 = arith.extui %lt3A_61 : i1 to i32
          %cond3A_63 = arith.constant 0 : i32
          %cond3A_64 = arith.cmpi ne, %convert_element_type3A_62, %cond3A_63 : i32
          scf.if %cond3A_64 {
            %add3A_71 = arith.constant 2 : i32
            %add3A_72 = arith.addi %mul3A_45, %add3A_71 : i32
            %dma_start3A_73 = arith.constant 0 : i32
            %dma_start3A_74 = tpu.memref_slice %arg9[%add3A_72, %dma_start3A_73] : memref<40x128xi32, #tpu.memory_space<vmem>> -> memref<1x128xi32, #tpu.memory_space<vmem>>
            %dma_start3A_75 = tpu.memref_squeeze %dma_start3A_74 : memref<1x128xi32, #tpu.memory_space<vmem>> -> memref<128xi32, #tpu.memory_space<vmem>>
            %dma_start3A_76 = arith.constant 0 : i32
            %dma_start3A_77 = arith.constant 0 : i32
            %dma_start3A_78 = tpu.memref_slice %arg4[%dma_start3A_76, %dma_start3A_77] : memref<10112x128xf32, #tpu.memory_space<hbm>> -> memref<10112x128xf32, #tpu.memory_space<hbm>>
            tpu.enqueue_indirect_dma source(%dma_start3A_78 : memref<10112x128xf32, #tpu.memory_space<hbm>>) target(%arg11 : memref<128x128xf32, #tpu.memory_space<vmem>>) offsets(%dma_start3A_75 : memref<128xi32, #tpu.memory_space<vmem>>) semaphore(%arg14 : memref<!tpu.dma_semaphore, #tpu.memory_space<semaphore_mem>>)
          } else {
          }
          %dma_wait3A_65 = arith.constant 0 : i32
          %dma_wait3A_66 = tpu.memref_slice %arg9[%add3A_47, %dma_wait3A_65] : memref<40x128xi32, #tpu.memory_space<vmem>> -> memref<1x128xi32, #tpu.memory_space<vmem>>
          %dma_wait3A_67 = tpu.memref_squeeze %dma_wait3A_66 : memref<1x128xi32, #tpu.memory_space<vmem>> -> memref<128xi32, #tpu.memory_space<vmem>>
          %dma_wait3A_68 = arith.constant 0 : i32
          %dma_wait3A_69 = arith.constant 0 : i32
          %dma_wait3A_70 = tpu.memref_slice %arg4[%dma_wait3A_68, %dma_wait3A_69] : memref<10112x128xf32, #tpu.memory_space<hbm>> -> memref<10112x128xf32, #tpu.memory_space<hbm>>
          tpu.wait_indirect_dma semaphore(%arg15 : memref<!tpu.dma_semaphore, #tpu.memory_space<semaphore_mem>>) src(%dma_wait3A_70 : memref<10112x128xf32, #tpu.memory_space<hbm>>) dst(%arg12 : memref<128x128xf32, #tpu.memory_space<vmem>>)
          "tpu.region"() ({
            %run_scoped3A = tpu.sem_alloc : memref<!tpu.dma_semaphore, #tpu.memory_space<semaphore_mem>>
            %dma_start3A_71 = arith.constant 0 : i32
            %dma_start3A_72 = tpu.memref_slice %arg10[%add3A_47, %dma_start3A_71] : memref<40x128xi32, #tpu.memory_space<vmem>> -> memref<1x128xi32, #tpu.memory_space<vmem>>
            %dma_start3A_73 = tpu.memref_squeeze %dma_start3A_72 : memref<1x128xi32, #tpu.memory_space<vmem>> -> memref<128xi32, #tpu.memory_space<vmem>>
            %dma_start3A_74 = arith.constant 0 : i32
            %dma_start3A_75 = arith.constant 0 : i32
            %dma_start3A_76 = tpu.memref_slice %arg13[%dma_start3A_74, %dma_start3A_75] : memref<10112x128xf32, #tpu.memory_space<vmem_shared>> -> memref<10112x128xf32, #tpu.memory_space<vmem_shared>>
            tpu.enqueue_indirect_dma source(%arg12 : memref<128x128xf32, #tpu.memory_space<vmem>>) target(%dma_start3A_76 : memref<10112x128xf32, #tpu.memory_space<vmem_shared>>) offsets(%dma_start3A_73 : memref<128xi32, #tpu.memory_space<vmem>>) semaphore(%run_scoped3A : memref<!tpu.dma_semaphore, #tpu.memory_space<semaphore_mem>>) {add = true}
            %dma_wait3A_77 = arith.constant 0 : i32
            %dma_wait3A_78 = tpu.memref_slice %arg10[%add3A_47, %dma_wait3A_77] : memref<40x128xi32, #tpu.memory_space<vmem>> -> memref<1x128xi32, #tpu.memory_space<vmem>>
            %dma_wait3A_79 = tpu.memref_squeeze %dma_wait3A_78 : memref<1x128xi32, #tpu.memory_space<vmem>> -> memref<128xi32, #tpu.memory_space<vmem>>
            %dma_wait3A_80 = arith.constant 0 : i32
            %dma_wait3A_81 = arith.constant 0 : i32
            %dma_wait3A_82 = tpu.memref_slice %arg13[%dma_wait3A_80, %dma_wait3A_81] : memref<10112x128xf32, #tpu.memory_space<vmem_shared>> -> memref<10112x128xf32, #tpu.memory_space<vmem_shared>>
            tpu.wait_indirect_dma semaphore(%run_scoped3A : memref<!tpu.dma_semaphore, #tpu.memory_space<semaphore_mem>>) src(%arg12 : memref<128x128xf32, #tpu.memory_space<vmem>>) dst(%dma_wait3A_82 : memref<10112x128xf32, #tpu.memory_space<vmem_shared>>)
            tpu.yield
          }) : () -> ()
        }
        %scan3A_42 = arith.constant 20 : i32
      }
      %scan3A_26 = arith.constant 4 : i32
    } else {
    }
    %eq3A_6 = arith.constant 1 : i32
    %eq3A_7 = arith.cmpi eq, %arg0, %eq3A_6 : i32
    %convert_element_type3A_8 = arith.extui %eq3A_7 : i1 to i32
    %cond3A_9 = arith.constant 0 : i32
    %cond3A_10 = arith.cmpi ne, %convert_element_type3A_8, %cond3A_9 : i32
    scf.if %cond3A_10 {
      %scan3A = arith.constant 0 : i32
      %scan3A_22 = arith.constant 0 : i32
      %scan3A_23 = arith.constant 4 : i32
      %scan3A_24 = arith.addi %scan3A_22, %scan3A_23 : i32
      %scan3A_25 = arith.constant 1 : i32
      scf.for %scan3A_27 = %scan3A_22 to %scan3A_24 step %scan3A_25  : i32 {
        %mul3A_28 = arith.constant 40 : i32
        %mul3A_29 = arith.muli %scan3A_27, %mul3A_28 : i32
        %add3A = arith.addi %multiple_of3A_3, %mul3A_29 : i32
        %multiple_of3A_30 = tpu.assume_multiple %add3A, 8 : i32
        "tpu.region"() ({
          %run_scoped3A = tpu.sem_alloc : memref<!tpu.dma_semaphore, #tpu.memory_space<semaphore_mem>>
          %dma_start3A_43 = arith.constant 0 : i32
          %dma_start3A_44 = tpu.memref_slice %arg2[%multiple_of3A_30, %dma_start3A_43] : memref<2560x128xi32, #tpu.memory_space<hbm>> -> memref<40x128xi32, #tpu.memory_space<hbm>>
          %dma_start3A_45 = arith.constant 0 : i32
          %dma_start3A_46 = tpu.memref_slice %arg2[%multiple_of3A_30, %dma_start3A_45] : memref<2560x128xi32, #tpu.memory_space<hbm>> -> memref<40x128xi32, #tpu.memory_space<hbm>>
          tpu.enqueue_dma source(%dma_start3A_46 : memref<40x128xi32, #tpu.memory_space<hbm>>) target(%arg9 : memref<40x128xi32, #tpu.memory_space<vmem>>) target_semaphore(%run_scoped3A : memref<!tpu.dma_semaphore, #tpu.memory_space<semaphore_mem>>)
          %dma_wait3A = arith.constant 0 : i32
          %dma_wait3A_47 = tpu.memref_slice %arg2[%multiple_of3A_30, %dma_wait3A] : memref<2560x128xi32, #tpu.memory_space<hbm>> -> memref<40x128xi32, #tpu.memory_space<hbm>>
          %dma_wait3A_48 = arith.constant 0 : i32
          %dma_wait3A_49 = tpu.memref_slice %arg2[%multiple_of3A_30, %dma_wait3A_48] : memref<2560x128xi32, #tpu.memory_space<hbm>> -> memref<40x128xi32, #tpu.memory_space<hbm>>
          tpu.wait_dma2 semaphore(%run_scoped3A : memref<!tpu.dma_semaphore, #tpu.memory_space<semaphore_mem>>) src(%dma_wait3A_49 : memref<40x128xi32, #tpu.memory_space<hbm>>) dst(%arg9 : memref<40x128xi32, #tpu.memory_space<vmem>>)
          tpu.yield
        }) : () -> ()
        "tpu.region"() ({
          %run_scoped3A = tpu.sem_alloc : memref<!tpu.dma_semaphore, #tpu.memory_space<semaphore_mem>>
          %dma_start3A_43 = arith.constant 0 : i32
          %dma_start3A_44 = tpu.memref_slice %arg3[%multiple_of3A_30, %dma_start3A_43] : memref<2560x128xi32, #tpu.memory_space<hbm>> -> memref<40x128xi32, #tpu.memory_space<hbm>>
          %dma_start3A_45 = arith.constant 0 : i32
          %dma_start3A_46 = tpu.memref_slice %arg3[%multiple_of3A_30, %dma_start3A_45] : memref<2560x128xi32, #tpu.memory_space<hbm>> -> memref<40x128xi32, #tpu.memory_space<hbm>>
          tpu.enqueue_dma source(%dma_start3A_46 : memref<40x128xi32, #tpu.memory_space<hbm>>) target(%arg10 : memref<40x128xi32, #tpu.memory_space<vmem>>) target_semaphore(%run_scoped3A : memref<!tpu.dma_semaphore, #tpu.memory_space<semaphore_mem>>)
          %dma_wait3A = arith.constant 0 : i32
          %dma_wait3A_47 = tpu.memref_slice %arg3[%multiple_of3A_30, %dma_wait3A] : memref<2560x128xi32, #tpu.memory_space<hbm>> -> memref<40x128xi32, #tpu.memory_space<hbm>>
          %dma_wait3A_48 = arith.constant 0 : i32
          %dma_wait3A_49 = tpu.memref_slice %arg3[%multiple_of3A_30, %dma_wait3A_48] : memref<2560x128xi32, #tpu.memory_space<hbm>> -> memref<40x128xi32, #tpu.memory_space<hbm>>
          tpu.wait_dma2 semaphore(%run_scoped3A : memref<!tpu.dma_semaphore, #tpu.memory_space<semaphore_mem>>) src(%dma_wait3A_49 : memref<40x128xi32, #tpu.memory_space<hbm>>) dst(%arg10 : memref<40x128xi32, #tpu.memory_space<vmem>>)
          tpu.yield
        }) : () -> ()
        %dma_start3A = arith.constant 0 : i32
        %dma_start3A_31 = arith.constant 0 : i32
        %dma_start3A_32 = tpu.memref_slice %arg9[%dma_start3A, %dma_start3A_31] : memref<40x128xi32, #tpu.memory_space<vmem>> -> memref<1x128xi32, #tpu.memory_space<vmem>>
        %dma_start3A_33 = tpu.memref_squeeze %dma_start3A_32 : memref<1x128xi32, #tpu.memory_space<vmem>> -> memref<128xi32, #tpu.memory_space<vmem>>
        %dma_start3A_34 = arith.constant 0 : i32
        %dma_start3A_35 = arith.constant 0 : i32
        %dma_start3A_36 = tpu.memref_slice %arg5[%dma_start3A_34, %dma_start3A_35] : memref<10112x128xf32, #tpu.memory_space<hbm>> -> memref<10112x128xf32, #tpu.memory_space<hbm>>
        tpu.enqueue_indirect_dma source(%dma_start3A_36 : memref<10112x128xf32, #tpu.memory_space<hbm>>) target(%arg11 : memref<128x128xf32, #tpu.memory_space<vmem>>) offsets(%dma_start3A_33 : memref<128xi32, #tpu.memory_space<vmem>>) semaphore(%arg14 : memref<!tpu.dma_semaphore, #tpu.memory_space<semaphore_mem>>)
        %scan3A_37 = arith.constant 0 : i32
        %scan3A_38 = arith.constant 0 : i32
        %scan3A_39 = arith.constant 20 : i32
        %scan3A_40 = arith.addi %scan3A_38, %scan3A_39 : i32
        %scan3A_41 = arith.constant 1 : i32
        scf.for %scan3A_43 = %scan3A_38 to %scan3A_40 step %scan3A_41  : i32 {
          %mul3A_44 = arith.constant 2 : i32
          %mul3A_45 = arith.muli %mul3A_44, %scan3A_43 : i32
          %add3A_46 = arith.constant 1 : i32
          %add3A_47 = arith.addi %mul3A_45, %add3A_46 : i32
          %dma_start3A_48 = arith.constant 0 : i32
          %dma_start3A_49 = tpu.memref_slice %arg9[%add3A_47, %dma_start3A_48] : memref<40x128xi32, #tpu.memory_space<vmem>> -> memref<1x128xi32, #tpu.memory_space<vmem>>
          %dma_start3A_50 = tpu.memref_squeeze %dma_start3A_49 : memref<1x128xi32, #tpu.memory_space<vmem>> -> memref<128xi32, #tpu.memory_space<vmem>>
          %dma_start3A_51 = arith.constant 0 : i32
          %dma_start3A_52 = arith.constant 0 : i32
          %dma_start3A_53 = tpu.memref_slice %arg5[%dma_start3A_51, %dma_start3A_52] : memref<10112x128xf32, #tpu.memory_space<hbm>> -> memref<10112x128xf32, #tpu.memory_space<hbm>>
          tpu.enqueue_indirect_dma source(%dma_start3A_53 : memref<10112x128xf32, #tpu.memory_space<hbm>>) target(%arg12 : memref<128x128xf32, #tpu.memory_space<vmem>>) offsets(%dma_start3A_50 : memref<128xi32, #tpu.memory_space<vmem>>) semaphore(%arg15 : memref<!tpu.dma_semaphore, #tpu.memory_space<semaphore_mem>>)
          %dma_wait3A = arith.constant 0 : i32
          %dma_wait3A_54 = tpu.memref_slice %arg9[%mul3A_45, %dma_wait3A] : memref<40x128xi32, #tpu.memory_space<vmem>> -> memref<1x128xi32, #tpu.memory_space<vmem>>
          %dma_wait3A_55 = tpu.memref_squeeze %dma_wait3A_54 : memref<1x128xi32, #tpu.memory_space<vmem>> -> memref<128xi32, #tpu.memory_space<vmem>>
          %dma_wait3A_56 = arith.constant 0 : i32
          %dma_wait3A_57 = arith.constant 0 : i32
          %dma_wait3A_58 = tpu.memref_slice %arg5[%dma_wait3A_56, %dma_wait3A_57] : memref<10112x128xf32, #tpu.memory_space<hbm>> -> memref<10112x128xf32, #tpu.memory_space<hbm>>
          tpu.wait_indirect_dma semaphore(%arg14 : memref<!tpu.dma_semaphore, #tpu.memory_space<semaphore_mem>>) src(%dma_wait3A_58 : memref<10112x128xf32, #tpu.memory_space<hbm>>) dst(%arg11 : memref<128x128xf32, #tpu.memory_space<vmem>>)
          "tpu.region"() ({
            %run_scoped3A = tpu.sem_alloc : memref<!tpu.dma_semaphore, #tpu.memory_space<semaphore_mem>>
            %dma_start3A_71 = arith.constant 0 : i32
            %dma_start3A_72 = tpu.memref_slice %arg10[%mul3A_45, %dma_start3A_71] : memref<40x128xi32, #tpu.memory_space<vmem>> -> memref<1x128xi32, #tpu.memory_space<vmem>>
            %dma_start3A_73 = tpu.memref_squeeze %dma_start3A_72 : memref<1x128xi32, #tpu.memory_space<vmem>> -> memref<128xi32, #tpu.memory_space<vmem>>
            %dma_start3A_74 = arith.constant 0 : i32
            %dma_start3A_75 = arith.constant 0 : i32
            %dma_start3A_76 = tpu.memref_slice %arg13[%dma_start3A_74, %dma_start3A_75] : memref<10112x128xf32, #tpu.memory_space<vmem_shared>> -> memref<10112x128xf32, #tpu.memory_space<vmem_shared>>
            tpu.enqueue_indirect_dma source(%arg11 : memref<128x128xf32, #tpu.memory_space<vmem>>) target(%dma_start3A_76 : memref<10112x128xf32, #tpu.memory_space<vmem_shared>>) offsets(%dma_start3A_73 : memref<128xi32, #tpu.memory_space<vmem>>) semaphore(%run_scoped3A : memref<!tpu.dma_semaphore, #tpu.memory_space<semaphore_mem>>) {add = true}
            %dma_wait3A_77 = arith.constant 0 : i32
            %dma_wait3A_78 = tpu.memref_slice %arg10[%mul3A_45, %dma_wait3A_77] : memref<40x128xi32, #tpu.memory_space<vmem>> -> memref<1x128xi32, #tpu.memory_space<vmem>>
            %dma_wait3A_79 = tpu.memref_squeeze %dma_wait3A_78 : memref<1x128xi32, #tpu.memory_space<vmem>> -> memref<128xi32, #tpu.memory_space<vmem>>
            %dma_wait3A_80 = arith.constant 0 : i32
            %dma_wait3A_81 = arith.constant 0 : i32
            %dma_wait3A_82 = tpu.memref_slice %arg13[%dma_wait3A_80, %dma_wait3A_81] : memref<10112x128xf32, #tpu.memory_space<vmem_shared>> -> memref<10112x128xf32, #tpu.memory_space<vmem_shared>>
            tpu.wait_indirect_dma semaphore(%run_scoped3A : memref<!tpu.dma_semaphore, #tpu.memory_space<semaphore_mem>>) src(%arg11 : memref<128x128xf32, #tpu.memory_space<vmem>>) dst(%dma_wait3A_82 : memref<10112x128xf32, #tpu.memory_space<vmem_shared>>)
            tpu.yield
          }) : () -> ()
          %add3A_59 = arith.constant 2 : i32
          %add3A_60 = arith.addi %mul3A_45, %add3A_59 : i32
          %lt3A = arith.constant 40 : i32
          %lt3A_61 = arith.cmpi slt, %add3A_60, %lt3A : i32
          %convert_element_type3A_62 = arith.extui %lt3A_61 : i1 to i32
          %cond3A_63 = arith.constant 0 : i32
          %cond3A_64 = arith.cmpi ne, %convert_element_type3A_62, %cond3A_63 : i32
          scf.if %cond3A_64 {
            %add3A_71 = arith.constant 2 : i32
            %add3A_72 = arith.addi %mul3A_45, %add3A_71 : i32
            %dma_start3A_73 = arith.constant 0 : i32
            %dma_start3A_74 = tpu.memref_slice %arg9[%add3A_72, %dma_start3A_73] : memref<40x128xi32, #tpu.memory_space<vmem>> -> memref<1x128xi32, #tpu.memory_space<vmem>>
            %dma_start3A_75 = tpu.memref_squeeze %dma_start3A_74 : memref<1x128xi32, #tpu.memory_space<vmem>> -> memref<128xi32, #tpu.memory_space<vmem>>
            %dma_start3A_76 = arith.constant 0 : i32
            %dma_start3A_77 = arith.constant 0 : i32
            %dma_start3A_78 = tpu.memref_slice %arg5[%dma_start3A_76, %dma_start3A_77] : memref<10112x128xf32, #tpu.memory_space<hbm>> -> memref<10112x128xf32, #tpu.memory_space<hbm>>
            tpu.enqueue_indirect_dma source(%dma_start3A_78 : memref<10112x128xf32, #tpu.memory_space<hbm>>) target(%arg11 : memref<128x128xf32, #tpu.memory_space<vmem>>) offsets(%dma_start3A_75 : memref<128xi32, #tpu.memory_space<vmem>>) semaphore(%arg14 : memref<!tpu.dma_semaphore, #tpu.memory_space<semaphore_mem>>)
          } else {
          }
          %dma_wait3A_65 = arith.constant 0 : i32
          %dma_wait3A_66 = tpu.memref_slice %arg9[%add3A_47, %dma_wait3A_65] : memref<40x128xi32, #tpu.memory_space<vmem>> -> memref<1x128xi32, #tpu.memory_space<vmem>>
          %dma_wait3A_67 = tpu.memref_squeeze %dma_wait3A_66 : memref<1x128xi32, #tpu.memory_space<vmem>> -> memref<128xi32, #tpu.memory_space<vmem>>
          %dma_wait3A_68 = arith.constant 0 : i32
          %dma_wait3A_69 = arith.constant 0 : i32
          %dma_wait3A_70 = tpu.memref_slice %arg5[%dma_wait3A_68, %dma_wait3A_69] : memref<10112x128xf32, #tpu.memory_space<hbm>> -> memref<10112x128xf32, #tpu.memory_space<hbm>>
          tpu.wait_indirect_dma semaphore(%arg15 : memref<!tpu.dma_semaphore, #tpu.memory_space<semaphore_mem>>) src(%dma_wait3A_70 : memref<10112x128xf32, #tpu.memory_space<hbm>>) dst(%arg12 : memref<128x128xf32, #tpu.memory_space<vmem>>)
          "tpu.region"() ({
            %run_scoped3A = tpu.sem_alloc : memref<!tpu.dma_semaphore, #tpu.memory_space<semaphore_mem>>
            %dma_start3A_71 = arith.constant 0 : i32
            %dma_start3A_72 = tpu.memref_slice %arg10[%add3A_47, %dma_start3A_71] : memref<40x128xi32, #tpu.memory_space<vmem>> -> memref<1x128xi32, #tpu.memory_space<vmem>>
            %dma_start3A_73 = tpu.memref_squeeze %dma_start3A_72 : memref<1x128xi32, #tpu.memory_space<vmem>> -> memref<128xi32, #tpu.memory_space<vmem>>
            %dma_start3A_74 = arith.constant 0 : i32
            %dma_start3A_75 = arith.constant 0 : i32
            %dma_start3A_76 = tpu.memref_slice %arg13[%dma_start3A_74, %dma_start3A_75] : memref<10112x128xf32, #tpu.memory_space<vmem_shared>> -> memref<10112x128xf32, #tpu.memory_space<vmem_shared>>
            tpu.enqueue_indirect_dma source(%arg12 : memref<128x128xf32, #tpu.memory_space<vmem>>) target(%dma_start3A_76 : memref<10112x128xf32, #tpu.memory_space<vmem_shared>>) offsets(%dma_start3A_73 : memref<128xi32, #tpu.memory_space<vmem>>) semaphore(%run_scoped3A : memref<!tpu.dma_semaphore, #tpu.memory_space<semaphore_mem>>) {add = true}
            %dma_wait3A_77 = arith.constant 0 : i32
            %dma_wait3A_78 = tpu.memref_slice %arg10[%add3A_47, %dma_wait3A_77] : memref<40x128xi32, #tpu.memory_space<vmem>> -> memref<1x128xi32, #tpu.memory_space<vmem>>
            %dma_wait3A_79 = tpu.memref_squeeze %dma_wait3A_78 : memref<1x128xi32, #tpu.memory_space<vmem>> -> memref<128xi32, #tpu.memory_space<vmem>>
            %dma_wait3A_80 = arith.constant 0 : i32
            %dma_wait3A_81 = arith.constant 0 : i32
            %dma_wait3A_82 = tpu.memref_slice %arg13[%dma_wait3A_80, %dma_wait3A_81] : memref<10112x128xf32, #tpu.memory_space<vmem_shared>> -> memref<10112x128xf32, #tpu.memory_space<vmem_shared>>
            tpu.wait_indirect_dma semaphore(%run_scoped3A : memref<!tpu.dma_semaphore, #tpu.memory_space<semaphore_mem>>) src(%arg12 : memref<128x128xf32, #tpu.memory_space<vmem>>) dst(%dma_wait3A_82 : memref<10112x128xf32, #tpu.memory_space<vmem_shared>>)
            tpu.yield
          }) : () -> ()
        }
        %scan3A_42 = arith.constant 20 : i32
      }
      %scan3A_26 = arith.constant 4 : i32
    } else {
    }
    %barrier3A_11 = arith.constant 0 : index
    tpu.barrier barrier_id(%barrier3A_11)
    %eq3A_12 = arith.constant 0 : i32
    %eq3A_13 = arith.cmpi eq, %arg0, %eq3A_12 : i32
    %convert_element_type3A_14 = arith.extui %eq3A_13 : i1 to i32
    %cond3A_15 = arith.constant 0 : i32
    %cond3A_16 = arith.cmpi ne, %convert_element_type3A_14, %cond3A_15 : i32
    scf.if %cond3A_16 {
      "tpu.region"() ({
        %run_scoped3A = tpu.sem_alloc : memref<!tpu.dma_semaphore, #tpu.memory_space<semaphore_mem>>
        %dma_start3A = arith.constant 0 : i32
        %dma_start3A_22 = tpu.memref_slice %arg7[%multiple_of3A, %dma_start3A] : memref<10112x128xf32, #tpu.memory_space<hbm>> -> memref<632x128xf32, #tpu.memory_space<hbm>>
        %dma_start3A_23 = arith.constant 0 : i32
        %dma_start3A_24 = tpu.memref_slice %arg13[%multiple_of3A, %dma_start3A_23] : memref<10112x128xf32, #tpu.memory_space<vmem_shared>> -> memref<632x128xf32, #tpu.memory_space<vmem_shared>>
        tpu.enqueue_dma source(%dma_start3A_24 : memref<632x128xf32, #tpu.memory_space<vmem_shared>>) target(%dma_start3A_22 : memref<632x128xf32, #tpu.memory_space<hbm>>) target_semaphore(%run_scoped3A : memref<!tpu.dma_semaphore, #tpu.memory_space<semaphore_mem>>)
        %dma_wait3A = arith.constant 0 : i32
        %dma_wait3A_25 = tpu.memref_slice %arg7[%multiple_of3A, %dma_wait3A] : memref<10112x128xf32, #tpu.memory_space<hbm>> -> memref<632x128xf32, #tpu.memory_space<hbm>>
        %dma_wait3A_26 = arith.constant 0 : i32
        %dma_wait3A_27 = tpu.memref_slice %arg13[%multiple_of3A, %dma_wait3A_26] : memref<10112x128xf32, #tpu.memory_space<vmem_shared>> -> memref<632x128xf32, #tpu.memory_space<vmem_shared>>
        tpu.wait_dma2 semaphore(%run_scoped3A : memref<!tpu.dma_semaphore, #tpu.memory_space<semaphore_mem>>) src(%dma_wait3A_27 : memref<632x128xf32, #tpu.memory_space<vmem_shared>>) dst(%dma_wait3A_25 : memref<632x128xf32, #tpu.memory_space<hbm>>)
        tpu.yield
      }) : () -> ()
    } else {
    }
    %eq3A_17 = arith.constant 1 : i32
    %eq3A_18 = arith.cmpi eq, %arg0, %eq3A_17 : i32
    %convert_element_type3A_19 = arith.extui %eq3A_18 : i1 to i32
    %cond3A_20 = arith.constant 0 : i32
    %cond3A_21 = arith.cmpi ne, %convert_element_type3A_19, %cond3A_20 : i32
    scf.if %cond3A_21 {
      "tpu.region"() ({
        %run_scoped3A = tpu.sem_alloc : memref<!tpu.dma_semaphore, #tpu.memory_space<semaphore_mem>>
        %dma_start3A = arith.constant 0 : i32
        %dma_start3A_22 = tpu.memref_slice %arg8[%multiple_of3A, %dma_start3A] : memref<10112x128xf32, #tpu.memory_space<hbm>> -> memref<632x128xf32, #tpu.memory_space<hbm>>
        %dma_start3A_23 = arith.constant 0 : i32
        %dma_start3A_24 = tpu.memref_slice %arg13[%multiple_of3A, %dma_start3A_23] : memref<10112x128xf32, #tpu.memory_space<vmem_shared>> -> memref<632x128xf32, #tpu.memory_space<vmem_shared>>
        tpu.enqueue_dma source(%dma_start3A_24 : memref<632x128xf32, #tpu.memory_space<vmem_shared>>) target(%dma_start3A_22 : memref<632x128xf32, #tpu.memory_space<hbm>>) target_semaphore(%run_scoped3A : memref<!tpu.dma_semaphore, #tpu.memory_space<semaphore_mem>>)
        %dma_wait3A = arith.constant 0 : i32
        %dma_wait3A_25 = tpu.memref_slice %arg8[%multiple_of3A, %dma_wait3A] : memref<10112x128xf32, #tpu.memory_space<hbm>> -> memref<632x128xf32, #tpu.memory_space<hbm>>
        %dma_wait3A_26 = arith.constant 0 : i32
        %dma_wait3A_27 = tpu.memref_slice %arg13[%multiple_of3A, %dma_wait3A_26] : memref<10112x128xf32, #tpu.memory_space<vmem_shared>> -> memref<632x128xf32, #tpu.memory_space<vmem_shared>>
        tpu.wait_dma2 semaphore(%run_scoped3A : memref<!tpu.dma_semaphore, #tpu.memory_space<semaphore_mem>>) src(%dma_wait3A_27 : memref<632x128xf32, #tpu.memory_space<vmem_shared>>) dst(%dma_wait3A_25 : memref<632x128xf32, #tpu.memory_space<hbm>>)
        tpu.yield
      }) : () -> ()
    } else {
    }
    return
  }
}

module attributes {stable_mosaic.version = 14 : i64} {
  func.func @_tc1_body(%arg0: memref<10000x128xf32, #tpu.memory_space<vmem>>, %arg1: memref<128x256xf32, #tpu.memory_space<vmem>>, %arg2: memref<10112x128xf32, #tpu.memory_space<vmem>>, %arg3: memref<10112x128xf32, #tpu.memory_space<vmem>>, %arg4: memref<10112x128xf32, #tpu.memory_space<vmem>>, %arg5: memref<10112x128xf32, #tpu.memory_space<vmem>>, %arg6: memref<10112x1xf32, #tpu.memory_space<vmem>>) attributes {dimension_semantics = [], scalar_prefetch = 0 : i64, scratch_operands = 0 : i64, tpu.core_type = #tpu.core_type<tc>} {
    %get3A = arith.constant 0 : index
    %get3A_0 = arith.constant 0 : index
    %get3A_1 = vector.load %arg2[%get3A, %get3A_0] : memref<10112x128xf32, #tpu.memory_space<vmem>>, vector<10112x1xf32>
    %get3A_2 = arith.constant 0 : index
    %get3A_3 = arith.constant 0 : index
    %get3A_4 = vector.load %arg3[%get3A_2, %get3A_3] : memref<10112x128xf32, #tpu.memory_space<vmem>>, vector<10112x1xf32>
    %add3A = arith.addf %get3A_1, %get3A_4 : vector<10112x1xf32>
    %add3A_5 = arith.constant 1.000000e+00 : f32
    %add3A_6 = vector.broadcast %add3A_5 : f32 to vector<10112x1xf32>
    %add3A_7 = arith.addf %add3A, %add3A_6 : vector<10112x1xf32>
    %rsqrt3A = math.rsqrt %add3A_7 : vector<10112x1xf32>
    %swap3A = arith.constant 0 : index
    %swap3A_8 = arith.constant 0 : index
    %swap3A_9 = vector.load %arg6[%swap3A, %swap3A_8] : memref<10112x1xf32, #tpu.memory_space<vmem>>, vector<10112x1xf32>
    tpu.vector_store %arg6[%swap3A, %swap3A_8], %rsqrt3A {strides = array<i32>} : memref<10112x1xf32, #tpu.memory_space<vmem>>, vector<10112x1xf32>,
    %get3A_10 = arith.constant 0 : index
    %get3A_11 = arith.constant 0 : index
    %get3A_12 = vector.load %arg0[%get3A_10, %get3A_11] : memref<10000x128xf32, #tpu.memory_space<vmem>>, vector<10000x128xf32>
    %get3A_13 = arith.constant 0 : index
    %get3A_14 = arith.constant 0 : index
    %get3A_15 = vector.load %arg1[%get3A_13, %get3A_14] : memref<128x256xf32, #tpu.memory_space<vmem>>, vector<128x256xf32>
    %dot_general3A = arith.constant dense<0.000000e+00> : vector<10000x256xf32>
    %dot_general3A_16 = tpu.matmul %get3A_12, %get3A_15, %dot_general3A {dimension_numbers = #tpu.dot_dimension_numbers<[1], [0], [0], [1], [0, 0, 1, 1], [], []>, transpose_lhs_hint = false} : vector<10000x128xf32>, vector<128x256xf32>, vector<10000x256xf32> -> vector<10000x256xf32>
    %slice3A = vector.extract_strided_slice %rsqrt3A {offsets = [0, 0], sizes = [10000, 1], strides = [1, 1]} : vector<10112x1xf32> to vector<10000x1xf32>
    %mul3A = vector.broadcast %slice3A : vector<10000x1xf32> to vector<10000x256xf32>
    %mul3A_17 = arith.mulf %dot_general3A_16, %mul3A : vector<10000x256xf32>
    %broadcast_in_dim3A = arith.constant 0.000000e+00 : f32
    %broadcast_in_dim3A_18 = vector.broadcast %broadcast_in_dim3A : f32 to vector<112x128xf32>
    %slice3A_19 = vector.extract_strided_slice %mul3A_17 {offsets = [0, 0], sizes = [10000, 128], strides = [1, 1]} : vector<10000x256xf32> to vector<10000x128xf32>
    %swap3A_20 = arith.constant 0 : index
    %swap3A_21 = arith.constant 0 : index
    %swap3A_22 = vector.load %arg4[%swap3A_20, %swap3A_21] : memref<10112x128xf32, #tpu.memory_space<vmem>>, vector<10000x128xf32>
    tpu.vector_store %arg4[%swap3A_20, %swap3A_21], %slice3A_19 {strides = array<i32>} : memref<10112x128xf32, #tpu.memory_space<vmem>>, vector<10000x128xf32>,
    %swap3A_23 = arith.constant 10000 : index
    %swap3A_24 = arith.constant 0 : index
    %swap3A_25 = vector.load %arg4[%swap3A_23, %swap3A_24] : memref<10112x128xf32, #tpu.memory_space<vmem>>, vector<112x128xf32>
    tpu.vector_store %arg4[%swap3A_23, %swap3A_24], %broadcast_in_dim3A_18 {strides = array<i32>} : memref<10112x128xf32, #tpu.memory_space<vmem>>, vector<112x128xf32>,
    %slice3A_26 = vector.extract_strided_slice %mul3A_17 {offsets = [0, 128], sizes = [10000, 128], strides = [1, 1]} : vector<10000x256xf32> to vector<10000x128xf32>
    %swap3A_27 = arith.constant 0 : index
    %swap3A_28 = arith.constant 0 : index
    %swap3A_29 = vector.load %arg5[%swap3A_27, %swap3A_28] : memref<10112x128xf32, #tpu.memory_space<vmem>>, vector<10000x128xf32>
    tpu.vector_store %arg5[%swap3A_27, %swap3A_28], %slice3A_26 {strides = array<i32>} : memref<10112x128xf32, #tpu.memory_space<vmem>>, vector<10000x128xf32>,
    %swap3A_30 = arith.constant 10000 : index
    %swap3A_31 = arith.constant 0 : index
    %swap3A_32 = vector.load %arg5[%swap3A_30, %swap3A_31] : memref<10112x128xf32, #tpu.memory_space<vmem>>, vector<112x128xf32>
    tpu.vector_store %arg5[%swap3A_30, %swap3A_31], %broadcast_in_dim3A_18 {strides = array<i32>} : memref<10112x128xf32, #tpu.memory_space<vmem>>, vector<112x128xf32>,
    return
  }
}

module attributes {stable_mosaic.version = 14 : i64} {
  func.func @_norm1_body(%arg0: memref<10112x128xf32, #tpu.memory_space<vmem>>, %arg1: memref<10112x128xf32, #tpu.memory_space<vmem>>, %arg2: memref<10112x128xf32, #tpu.memory_space<vmem>>, %arg3: memref<10112x128xf32, #tpu.memory_space<vmem>>, %arg4: memref<10112x1xf32, #tpu.memory_space<vmem>>, %arg5: memref<1x256xf32, #tpu.memory_space<vmem>>, %arg6: memref<1x256xf32, #tpu.memory_space<vmem>>, %arg7: memref<1x256xf32, #tpu.memory_space<vmem>>, %arg8: memref<1x256xf32, #tpu.memory_space<vmem>>, %arg9: memref<256x128xf32, #tpu.memory_space<vmem>>, %arg10: memref<10112x128xf32, #tpu.memory_space<vmem>>) attributes {dimension_semantics = [], scalar_prefetch = 0 : i64, scratch_operands = 0 : i64, tpu.core_type = #tpu.core_type<tc>} {
    %get3A = arith.constant 0 : index
    %get3A_0 = arith.constant 0 : index
    %get3A_1 = vector.load %arg4[%get3A, %get3A_0] : memref<10112x1xf32, #tpu.memory_space<vmem>>, vector<10112x1xf32>
    %get3A_2 = arith.constant 0 : index
    %get3A_3 = arith.constant 0 : index
    %get3A_4 = vector.load %arg0[%get3A_2, %get3A_3] : memref<10112x128xf32, #tpu.memory_space<vmem>>, vector<10112x128xf32>
    %get3A_5 = arith.constant 0 : index
    %get3A_6 = arith.constant 0 : index
    %get3A_7 = vector.load %arg2[%get3A_5, %get3A_6] : memref<10112x128xf32, #tpu.memory_space<vmem>>, vector<10112x128xf32>
    %add3A = arith.addf %get3A_4, %get3A_7 : vector<10112x128xf32>
    %mul3A = vector.broadcast %get3A_1 : vector<10112x1xf32> to vector<10112x128xf32>
    %mul3A_8 = arith.mulf %mul3A, %add3A : vector<10112x128xf32>
    %get3A_9 = arith.constant 0 : index
    %get3A_10 = arith.constant 0 : index
    %get3A_11 = vector.load %arg1[%get3A_9, %get3A_10] : memref<10112x128xf32, #tpu.memory_space<vmem>>, vector<10112x128xf32>
    %get3A_12 = arith.constant 0 : index
    %get3A_13 = arith.constant 0 : index
    %get3A_14 = vector.load %arg3[%get3A_12, %get3A_13] : memref<10112x128xf32, #tpu.memory_space<vmem>>, vector<10112x128xf32>
    %add3A_15 = arith.addf %get3A_11, %get3A_14 : vector<10112x128xf32>
    %mul3A_16 = vector.broadcast %get3A_1 : vector<10112x1xf32> to vector<10112x128xf32>
    %mul3A_17 = arith.mulf %mul3A_16, %add3A_15 : vector<10112x128xf32>
    %concatenate3A = tpu.concatenate %mul3A_8, %mul3A_17 in 1 : vector<10112x128xf32>, vector<10112x128xf32> -> vector<10112x256xf32>
    %slice3A = vector.extract_strided_slice %concatenate3A {offsets = [0, 0], sizes = [10000, 256], strides = [1, 1]} : vector<10112x256xf32> to vector<10000x256xf32>
    %get3A_18 = arith.constant 0 : index
    %get3A_19 = arith.constant 0 : index
    %get3A_20 = vector.load %arg5[%get3A_18, %get3A_19] : memref<1x256xf32, #tpu.memory_space<vmem>>, vector<1x256xf32>
    %add3A_21 = vector.broadcast %get3A_20 : vector<1x256xf32> to vector<10000x256xf32>
    %add3A_22 = arith.addf %slice3A, %add3A_21 : vector<10000x256xf32>
    %reduce_sum3A = arith.constant dense<0.000000e+00> : vector<256xf32>
    %reduce_sum3A_23 = vector.multi_reduction <add>, %add3A_22, %reduce_sum3A [0] : vector<10000x256xf32> to vector<256xf32>
    %broadcast_in_dim3A = vector.shape_cast %reduce_sum3A_23 : vector<256xf32> to vector<1x256xf32>
    %div3A = arith.constant 1.000000e+04 : f32
    %div3A_24 = vector.broadcast %div3A : f32 to vector<1x256xf32>
    %div3A_25 = arith.divf %broadcast_in_dim3A, %div3A_24 : vector<1x256xf32>
    %get3A_26 = arith.constant 0 : index
    %get3A_27 = arith.constant 0 : index
    %get3A_28 = vector.load %arg8[%get3A_26, %get3A_27] : memref<1x256xf32, #tpu.memory_space<vmem>>, vector<1x256xf32>
    %mul3A_29 = arith.mulf %div3A_25, %get3A_28 : vector<1x256xf32>
    %sub3A = vector.broadcast %mul3A_29 : vector<1x256xf32> to vector<10000x256xf32>
    %sub3A_30 = arith.subf %add3A_22, %sub3A : vector<10000x256xf32>
    %mul3A_31 = arith.mulf %sub3A_30, %sub3A_30 : vector<10000x256xf32>
    %reduce_sum3A_32 = arith.constant dense<0.000000e+00> : vector<256xf32>
    %reduce_sum3A_33 = vector.multi_reduction <add>, %mul3A_31, %reduce_sum3A_32 [0] : vector<10000x256xf32> to vector<256xf32>
    %broadcast_in_dim3A_34 = vector.shape_cast %reduce_sum3A_33 : vector<256xf32> to vector<1x256xf32>
    %div3A_35 = arith.constant 1.000000e+04 : f32
    %div3A_36 = vector.broadcast %div3A_35 : f32 to vector<1x256xf32>
    %div3A_37 = arith.divf %broadcast_in_dim3A_34, %div3A_36 : vector<1x256xf32>
    %get3A_38 = arith.constant 0 : index
    %get3A_39 = arith.constant 0 : index
    %get3A_40 = vector.load %arg6[%get3A_38, %get3A_39] : memref<1x256xf32, #tpu.memory_space<vmem>>, vector<1x256xf32>
    %mul3A_41 = vector.broadcast %get3A_40 : vector<1x256xf32> to vector<10000x256xf32>
    %mul3A_42 = arith.mulf %mul3A_41, %sub3A_30 : vector<10000x256xf32>
    %add3A_43 = arith.constant 9.99999974E-6 : f32
    %add3A_44 = vector.broadcast %add3A_43 : f32 to vector<1x256xf32>
    %add3A_45 = arith.addf %div3A_37, %add3A_44 : vector<1x256xf32>
    %rsqrt3A = math.rsqrt %add3A_45 : vector<1x256xf32>
    %mul3A_46 = vector.broadcast %rsqrt3A : vector<1x256xf32> to vector<10000x256xf32>
    %mul3A_47 = arith.mulf %mul3A_42, %mul3A_46 : vector<10000x256xf32>
    %get3A_48 = arith.constant 0 : index
    %get3A_49 = arith.constant 0 : index
    %get3A_50 = vector.load %arg7[%get3A_48, %get3A_49] : memref<1x256xf32, #tpu.memory_space<vmem>>, vector<1x256xf32>
    %add3A_51 = vector.broadcast %get3A_50 : vector<1x256xf32> to vector<10000x256xf32>
    %add3A_52 = arith.addf %mul3A_47, %add3A_51 : vector<10000x256xf32>
    %max3A = arith.constant 0.000000e+00 : f32
    %max3A_53 = vector.broadcast %max3A : f32 to vector<10000x256xf32>
    %max3A_54 = arith.maximumf %add3A_52, %max3A_53 : vector<10000x256xf32>
    %get3A_55 = arith.constant 0 : index
    %get3A_56 = arith.constant 0 : index
    %get3A_57 = vector.load %arg9[%get3A_55, %get3A_56] : memref<256x128xf32, #tpu.memory_space<vmem>>, vector<256x128xf32>
    %dot_general3A = arith.constant dense<0.000000e+00> : vector<10000x128xf32>
    %dot_general3A_58 = tpu.matmul %max3A_54, %get3A_57, %dot_general3A {dimension_numbers = #tpu.dot_dimension_numbers<[1], [0], [0], [1], [0, 0, 1, 1], [], []>, transpose_lhs_hint = false} : vector<10000x256xf32>, vector<256x128xf32>, vector<10000x128xf32> -> vector<10000x128xf32>
    %slice3A_59 = vector.extract_strided_slice %get3A_1 {offsets = [0, 0], sizes = [10000, 1], strides = [1, 1]} : vector<10112x1xf32> to vector<10000x1xf32>
    %mul3A_60 = vector.broadcast %slice3A_59 : vector<10000x1xf32> to vector<10000x128xf32>
    %mul3A_61 = arith.mulf %dot_general3A_58, %mul3A_60 : vector<10000x128xf32>
    %swap3A = arith.constant 0 : index
    %swap3A_62 = arith.constant 0 : index
    %swap3A_63 = vector.load %arg10[%swap3A, %swap3A_62] : memref<10112x128xf32, #tpu.memory_space<vmem>>, vector<10000x128xf32>
    tpu.vector_store %arg10[%swap3A, %swap3A_62], %mul3A_61 {strides = array<i32>} : memref<10112x128xf32, #tpu.memory_space<vmem>>, vector<10000x128xf32>,
    %broadcast_in_dim3A_64 = arith.constant 0.000000e+00 : f32
    %broadcast_in_dim3A_65 = vector.broadcast %broadcast_in_dim3A_64 : f32 to vector<112x128xf32>
    %swap3A_66 = arith.constant 10000 : index
    %swap3A_67 = arith.constant 0 : index
    %swap3A_68 = vector.load %arg10[%swap3A_66, %swap3A_67] : memref<10112x128xf32, #tpu.memory_space<vmem>>, vector<112x128xf32>
    tpu.vector_store %arg10[%swap3A_66, %swap3A_67], %broadcast_in_dim3A_65 {strides = array<i32>} : memref<10112x128xf32, #tpu.memory_space<vmem>>, vector<112x128xf32>,
    return
  }
}

module attributes {stable_mosaic.version = 14 : i64} {
  func.func @_norm2_body(%arg0: memref<10112x128xf32, #tpu.memory_space<vmem>>, %arg1: memref<10112x128xf32, #tpu.memory_space<vmem>>, %arg2: memref<10112x128xf32, #tpu.memory_space<vmem>>, %arg3: memref<10112x1xf32, #tpu.memory_space<vmem>>, %arg4: memref<1x128xf32, #tpu.memory_space<vmem>>, %arg5: memref<1x128xf32, #tpu.memory_space<vmem>>, %arg6: memref<1x128xf32, #tpu.memory_space<vmem>>, %arg7: memref<1x128xf32, #tpu.memory_space<vmem>>, %arg8: memref<10000x128xf32, #tpu.memory_space<vmem>>) attributes {dimension_semantics = [], scalar_prefetch = 0 : i64, scratch_operands = 0 : i64, tpu.core_type = #tpu.core_type<tc>} {
    %get3A = arith.constant 0 : index
    %get3A_0 = arith.constant 0 : index
    %get3A_1 = vector.load %arg3[%get3A, %get3A_0] : memref<10112x1xf32, #tpu.memory_space<vmem>>, vector<10112x1xf32>
    %get3A_2 = arith.constant 0 : index
    %get3A_3 = arith.constant 0 : index
    %get3A_4 = vector.load %arg0[%get3A_2, %get3A_3] : memref<10112x128xf32, #tpu.memory_space<vmem>>, vector<10112x128xf32>
    %get3A_5 = arith.constant 0 : index
    %get3A_6 = arith.constant 0 : index
    %get3A_7 = vector.load %arg1[%get3A_5, %get3A_6] : memref<10112x128xf32, #tpu.memory_space<vmem>>, vector<10112x128xf32>
    %add3A = arith.addf %get3A_4, %get3A_7 : vector<10112x128xf32>
    %get3A_8 = arith.constant 0 : index
    %get3A_9 = arith.constant 0 : index
    %get3A_10 = vector.load %arg2[%get3A_8, %get3A_9] : memref<10112x128xf32, #tpu.memory_space<vmem>>, vector<10112x128xf32>
    %add3A_11 = arith.addf %add3A, %get3A_10 : vector<10112x128xf32>
    %mul3A = vector.broadcast %get3A_1 : vector<10112x1xf32> to vector<10112x128xf32>
    %mul3A_12 = arith.mulf %mul3A, %add3A_11 : vector<10112x128xf32>
    %slice3A = vector.extract_strided_slice %mul3A_12 {offsets = [0, 0], sizes = [10000, 128], strides = [1, 1]} : vector<10112x128xf32> to vector<10000x128xf32>
    %get3A_13 = arith.constant 0 : index
    %get3A_14 = arith.constant 0 : index
    %get3A_15 = vector.load %arg4[%get3A_13, %get3A_14] : memref<1x128xf32, #tpu.memory_space<vmem>>, vector<1x128xf32>
    %add3A_16 = vector.broadcast %get3A_15 : vector<1x128xf32> to vector<10000x128xf32>
    %add3A_17 = arith.addf %slice3A, %add3A_16 : vector<10000x128xf32>
    %reduce_sum3A = arith.constant dense<0.000000e+00> : vector<128xf32>
    %reduce_sum3A_18 = vector.multi_reduction <add>, %add3A_17, %reduce_sum3A [0] : vector<10000x128xf32> to vector<128xf32>
    %broadcast_in_dim3A = vector.shape_cast %reduce_sum3A_18 : vector<128xf32> to vector<1x128xf32>
    %div3A = arith.constant 1.000000e+04 : f32
    %div3A_19 = vector.broadcast %div3A : f32 to vector<1x128xf32>
    %div3A_20 = arith.divf %broadcast_in_dim3A, %div3A_19 : vector<1x128xf32>
    %get3A_21 = arith.constant 0 : index
    %get3A_22 = arith.constant 0 : index
    %get3A_23 = vector.load %arg7[%get3A_21, %get3A_22] : memref<1x128xf32, #tpu.memory_space<vmem>>, vector<1x128xf32>
    %mul3A_24 = arith.mulf %div3A_20, %get3A_23 : vector<1x128xf32>
    %sub3A = vector.broadcast %mul3A_24 : vector<1x128xf32> to vector<10000x128xf32>
    %sub3A_25 = arith.subf %add3A_17, %sub3A : vector<10000x128xf32>
    %mul3A_26 = arith.mulf %sub3A_25, %sub3A_25 : vector<10000x128xf32>
    %reduce_sum3A_27 = arith.constant dense<0.000000e+00> : vector<128xf32>
    %reduce_sum3A_28 = vector.multi_reduction <add>, %mul3A_26, %reduce_sum3A_27 [0] : vector<10000x128xf32> to vector<128xf32>
    %broadcast_in_dim3A_29 = vector.shape_cast %reduce_sum3A_28 : vector<128xf32> to vector<1x128xf32>
    %div3A_30 = arith.constant 1.000000e+04 : f32
    %div3A_31 = vector.broadcast %div3A_30 : f32 to vector<1x128xf32>
    %div3A_32 = arith.divf %broadcast_in_dim3A_29, %div3A_31 : vector<1x128xf32>
    %get3A_33 = arith.constant 0 : index
    %get3A_34 = arith.constant 0 : index
    %get3A_35 = vector.load %arg5[%get3A_33, %get3A_34] : memref<1x128xf32, #tpu.memory_space<vmem>>, vector<1x128xf32>
    %mul3A_36 = vector.broadcast %get3A_35 : vector<1x128xf32> to vector<10000x128xf32>
    %mul3A_37 = arith.mulf %mul3A_36, %sub3A_25 : vector<10000x128xf32>
    %add3A_38 = arith.constant 9.99999974E-6 : f32
    %add3A_39 = vector.broadcast %add3A_38 : f32 to vector<1x128xf32>
    %add3A_40 = arith.addf %div3A_32, %add3A_39 : vector<1x128xf32>
    %rsqrt3A = math.rsqrt %add3A_40 : vector<1x128xf32>
    %mul3A_41 = vector.broadcast %rsqrt3A : vector<1x128xf32> to vector<10000x128xf32>
    %mul3A_42 = arith.mulf %mul3A_37, %mul3A_41 : vector<10000x128xf32>
    %get3A_43 = arith.constant 0 : index
    %get3A_44 = arith.constant 0 : index
    %get3A_45 = vector.load %arg6[%get3A_43, %get3A_44] : memref<1x128xf32, #tpu.memory_space<vmem>>, vector<1x128xf32>
    %add3A_46 = vector.broadcast %get3A_45 : vector<1x128xf32> to vector<10000x128xf32>
    %add3A_47 = arith.addf %mul3A_42, %add3A_46 : vector<10000x128xf32>
    %max3A = arith.constant 0.000000e+00 : f32
    %max3A_48 = vector.broadcast %max3A : f32 to vector<10000x128xf32>
    %max3A_49 = arith.maximumf %add3A_47, %max3A_48 : vector<10000x128xf32>
    %swap3A = arith.constant 0 : index
    %swap3A_50 = arith.constant 0 : index
    %swap3A_51 = vector.load %arg8[%swap3A, %swap3A_50] : memref<10000x128xf32, #tpu.memory_space<vmem>>, vector<10000x128xf32>
    tpu.vector_store %arg8[%swap3A, %swap3A_50], %max3A_49 {strides = array<i32>} : memref<10000x128xf32, #tpu.memory_space<vmem>>, vector<10000x128xf32>,
    return
  }
}

</mosaic_0001>

<sc_bundles>
// kernel: kernel.11.cloned.1.call-start
scs
__scs_entry_jumppad:
0x0: {  	(pc) =	sbr.rel $0x88, $3  }
0x1: {  	(tag) =	ssettag $0x0;
	lr =	simm.s32 $0x1  }
0x2: {  	[smem:$0x3F95] =	sst lr;
	_ =	strace $0xD0000000  }
0x3: {  	_ = 	snop  }
0x4: {  	_ = 	snop  }
0x5: {  	_ = 	snop  }
0x6: {  	_ = 	snop  }
0x7: {  	_ = 	snop  }
__scs_overlays_trampoline_lowered:
0x8: {  	[smem:$0x3FA4] =	sst s0  }
0x9: {  	[smem:$0x3FA5] =	sst s1  }
0xa: {  	[smem:$0x3FA6] =	sst s2  }
0xb: {  	[smem:$0x3FA7] =	sst s3  }
0xc: {  	[smem:$0x3FA8] =	sst s4  }
0xd: {  	[smem:$0x3FA9] =	sst s5  }
0xe: {  	[smem:$0x3FAA] =	sst s6  }
0xf: {  	[smem:$0x3FAB] =	sst s7  }
0x10: {  	[smem:$0x3FAC] =	sst s8  }
0x11: {  	[smem:$0x3FAD] =	sst s9;
	s0 =	simm.s32 @!p0 $0x0  }
0x12: {  	s1 =	sld [smem:$0x3F93];
	s0 =	simm.s32 @p0 $0x1  }
0x13: {  	[smem:$0x3FAE] =	sst s0;
	s0 =	simm.s32 @!p1 $0x0  }
0x14: {  	s2 =	sld [smem:$0x3F92];
	s0 =	simm.s32 @p1 $0x1  }
0x15: {  	[smem:$0x3FAF] =	sst s0;
	s0 =	simm.s32 @!p2 $0x0  }
0x16: {  	s3 =	sld [smem:$0x3FDB];
	s0 =	simm.s32 @p2 $0x1  }
0x17: {  	s4 =	simm.s32 $0x1BF5;
	[smem:$0x3FB1] =	sst s0  }
0x18: {  	s0 =	sld [smem:$0x3F94];
	_ =	swait.ge [sflag:s4], $0x0  }
0x19: {  	s7 =	sld [smem:$0x3F95]  }
0x1a: {  	s8 =	sadd.s32 $0xFFFFE003, lr  }
0x1b: {  	s9 =	sadd.s32 $0xFFFFFEF7, lr;
	s5 =	simm.s32 $0xFFFFFFFF;
	p2 =	slt.u32 s8, $0xFFFFF086  }
0x1c: {  	p1 =	slt.u32 s9, $0xF7A;
	s5 =	simm.s32 @!p2 $0x0  }
0x1d: {  	s5 =	simm.s32 @p1 $0x1;
	p0 =	seq.s32 s7, s2  }
0x1e: {  	s7 =	smul.u32 @!p0 $0xF7A, s2;
	p2 =	seq.s32 @!p0 s5, $0x0  }
0x1f: {  	s9 =	smul.u32 $0xF7A, s1;
	s8 =	simm.s32 @!p0 $0x1BF5;
	p2 =	por !p2, p0  }
0x20: {  	[sflag:s8] =	ssyncset.s32 @!p0 $0xFFFFF086;
	s6 =	sadd.s32 @!p0 s3, s7;
	s7 =	simm.s32 @!p0 $0x108  }
0x21: {  	s3 =	sadd.s32 s3, s9;
	s6 =	sadd.s32 @!p0 $0x88, s6;
	s7 =	simm.s32 @p2 $0x1082  }
0x22: {  	[simem:s7], [sflag:s8] =	dma.local @!p0 [hbm:s6], $0xF7A  }
0x23: {  	s9 =	sor.u32 $0xD0000000, s2;
	s6 =	simm.s32 $0x108;
	_ =	swait.ge @!p0 [sflag:s8], $0x0  }
0x24: {  	s3 =	sadd.s32 $0x88, s3;
	s6 =	simm.s32 @!p1 $0x1082;
	[sflag:s4] =	ssyncset.s32 $0xFFFFF086  }
0x25: {  	[simem:s6], [sflag:s4] =	dma.local [hbm:s3], $0xF7A  }
0x26: {  	[smem:$0x3F95] =	sst s1;
	(tag) =	ssettag s2;
	_ =	strace s9  }
0x27: {  	s1 =	sld [smem:$0x3FA5]  }
0x28: {  	s2 =	sld [smem:$0x3FA6]  }
0x29: {  	s4 =	sld [smem:$0x3FA8]  }
0x2a: {  	p0 =	seq.s32 s5, $0x0;
	s5 =	sld [smem:$0x3FA9]  }
0x2b: {  	s6 =	sld [smem:$0x3FAA]  }
0x2c: {  	s7 =	sld [smem:$0x3FAB]  }
0x2d: {  	s3 =	simm.s32 $0x108;
	s8 =	sld [smem:$0x3FAC]  }
0x2e: {  	s3 =	simm.s32 @!p0 $0x1082;
	s9 =	sld [smem:$0x3FAD]  }
0x2f: {  	lr =	sadd.s32 s0, s3;
	s0 =	sld [smem:$0x3FA4]  }
0x30: {  	s3 =	sld [smem:$0x3FA7]  }
0x31: {  	[smem:$0x3FB0] =	sst s10  }
0x32: {  	s10 =	sld [smem:$0x3FAE];
	_ =	sdelay $0x3  }
0x33: {  	p0 =	seq.s32 s10, $0x1;
	s10 =	sld [smem:$0x3FB0];
	_ =	sdelay $0x3  }
0x34: {  	[smem:$0x3FB0] =	sst s10  }
0x35: {  	s10 =	sld [smem:$0x3FAF];
	_ =	sdelay $0x3  }
0x36: {  	p1 =	seq.s32 s10, $0x1;
	s10 =	sld [smem:$0x3FB0];
	_ =	sdelay $0x3  }
0x37: {  	[smem:$0x3FB0] =	sst s10  }
0x38: {  	s10 =	sld [smem:$0x3FB1]  }
0x39: {  	_ = 	snop;
	(pc) =	sbr.ind lr, $3  }
0x3a: {  	_ = 	snop  }
0x3b: {  	_ = 	snop  }
0x3c: {  	p2 =	seq.s32 s10, $0x1;
	s10 =	sld [smem:$0x3FB0]  }
0x3d: {  	_ =	shalt  }
0x3e: {  	_ =	shalt  }
0x3f: {  	_ =	shalt  }
0x40: {  	_ =	shalt  }
0x41: {  	_ =	shalt  }
0x42: {  	_ =	shalt  }
0x43: {  	_ =	shalt  }
0x44: {  	_ =	shalt  }
0x45: {  	_ =	shalt  }
0x46: {  	_ =	shalt  }
0x47: {  	_ =	shalt  }
0x48: {  	_ =	shalt  }
0x49: {  	_ =	shalt  }
0x4a: {  	_ =	shalt  }
0x4b: {  	_ =	shalt  }
0x4c: {  	_ =	shalt  }
0x4d: {  	_ =	shalt  }
0x4e: {  	_ =	shalt  }
0x4f: {  	_ =	shalt  }
0x50: {  	_ =	shalt  }
0x51: {  	_ =	shalt  }
0x52: {  	_ =	shalt  }
0x53: {  	_ =	shalt  }
0x54: {  	_ =	shalt  }
0x55: {  	_ =	shalt  }
0x56: {  	_ =	shalt  }
0x57: {  	_ =	shalt  }
0x58: {  	_ =	shalt  }
0x59: {  	_ =	shalt  }
0x5a: {  	_ =	shalt  }
0x5b: {  	_ =	shalt  }
0x5c: {  	_ =	shalt  }
0x5d: {  	_ =	shalt  }
0x5e: {  	_ =	shalt  }
0x5f: {  	_ =	shalt  }
0x60: {  	_ =	shalt  }
0x61: {  	_ =	shalt  }
0x62: {  	_ =	shalt  }
0x63: {  	_ =	shalt  }
0x64: {  	_ =	shalt  }
0x65: {  	_ =	shalt  }
0x66: {  	_ =	shalt  }
0x67: {  	_ =	shalt  }
0x68: {  	_ =	shalt  }
0x69: {  	_ =	shalt  }
0x6a: {  	_ =	shalt  }
0x6b: {  	_ =	shalt  }
0x6c: {  	_ =	shalt  }
0x6d: {  	_ =	shalt  }
0x6e: {  	_ =	shalt  }
0x6f: {  	_ =	shalt  }
0x70: {  	_ =	shalt  }
0x71: {  	_ =	shalt  }
0x72: {  	_ =	shalt  }
0x73: {  	_ =	shalt  }
0x74: {  	_ =	shalt  }
0x75: {  	_ =	shalt  }
0x76: {  	_ =	shalt  }
0x77: {  	_ =	shalt  }
0x78: {  	_ =	shalt  }
0x79: {  	_ =	shalt  }
0x7a: {  	_ =	shalt  }
0x7b: {  	_ =	shalt  }
0x7c: {  	_ =	shalt  }
0x7d: {  	_ =	shalt  }
0x7e: {  	_ =	shalt  }
0x7f: {  	_ =	shalt  }
0x80: {  	_ =	shalt  }
0x81: {  	_ =	shalt  }
0x82: {  	_ =	shalt  }
0x83: {  	_ =	shalt  }
0x84: {  	_ =	shalt  }
0x85: {  	_ =	shalt  }
0x86: {  	_ =	shalt  }
0x87: {  	_ =	shalt  }
.Lfunc_end0:
.L_simem_size_0:
called_computation.1_lowered:
.L_overlay_start_0:
0x88: {  	s2 =	sld [smem:$0x3FD9]  }
0x89: {  	s3 =	sld [smem:$0x3FFE];
	_ =	sdelay $0x1  }
0x8a: {  	s1 =	srdreg.scid  }
0x8b: {  	s0 =	sand.u32 $0x1, s1  }
0x8c: {  	s17 =	sshll.u32 s0, $0xA;
	s2 =	sadd.s32 s3, s2  }
0x8d: {  	s2 =	sadd.s32 s2, s17  }
0x8e: {  	[smem:$0x3FBC] =	sst s2  }
0x8f: {  	_ = 	snop  }
0x90: {  	s2 =	sld [smem:$0x3FD0];
	(tm) =	ssettm $0x1  }
0x91: {  	s18 =	sld [smem:$0x3FFB];
	_ =	sdelay $0x3  }
0x92: {  	_ =	strace s18  }
0x93: {  	s3 =	sld [smem:$0x3FFC];
	_ =	sdelay $0x3  }
0x94: {  	_ =	strace s3  }
0x95: {  	s3 =	sld [smem:$0x3FFD];
	_ =	sdelay $0x3  }
0x96: {  	_ =	strace s3  }
0x97: {  	_ =	strace $0x8FFFFFFF  }
0x98: {  	s19 =	sld [smem:$0x3FDB];
	_ =	sdelay $0x1  }
0x99: {  	s4 =	simm.s32 $_scs_section_size  }
0x9a: {  	s5 =	simm.s32 $_size__tile_overlayer_lowered;
	s6 =	simm.s32 $_tile_overlayer_lowered  }
0x9b: {  	s22 =	simm.s32 $0x1BFF;
	s21 =	sshll.u32 s6, $0x1;
	s3 =	sadd.s32 s4, s19  }
0x9c: {  	s7 =	simm.s32 $0x0;
	s20 =	sshll.u32 s5, $0x1;
	s5 =	sadd.s32 s21, s3  }
0x9d: {  	[timem:s7], [sflag:s22] =	dma.local [hbm:s5], s20  }
0x9e: {  	_ =	swait.ge [sflag:s22], s20  }
0x9f: {  	s4 =	ssub.s32 $0x0, s20;
	[sflag:s22] =	ssyncset.done $0x0  }
0xa0: {  	[sflag:s22] =	ssyncadd.s32 s4;
	_ =	sdelay $0x1  }
0xa1: {  	s23 =	simm.s32 $0x1B8B  }
0xa2: {  	_ =	swait.ge [sflag:s23], $0x1  }
0xa3: {  	[sflag:s23] =	ssyncset.done $0x0  }
0xa4: {  	s25 =	simm.s32 $0x1B8E;
	s24 =	sld [smem:$0x3FFE];
	[sflag:s23] =	ssyncadd.s32 $0xFFFFFFFF  }
0xa5: {  	s26 =	simm.s32 $execute0_lowered;
	[smem:$0x3FD2] =	sst s25  }
0xa6: {  	s5 =	sshll.u32 s26, $0x1;
	_ =	strace $0x80000049;
	[dreg:$0x1] =	wrdreg $0xFFFFFFFF  }
0xa7: {  	s28 =	simm.s32 $_size_execute0_lowered;
	s3 =	sadd.s32 s3, s5;
	[dreg:$0x0] =	wrdreg $0x0  }
0xa8: {  	s5 =	sshll.u32 s28, $0x1;
	[dreg:$0x2] =	wrdreg s3  }
0xa9: {  	[dreg:$0x3] =	wrdreg s5  }
0xaa: {  	[dreg:$0x4] =	wrdreg $0xC0  }
0xab: {  	_ =	task [dreg:s7], $0x5FFFF  }
0xac: {  	[dreg:$0x1] =	wrdreg $0xFFFFFFFF  }
0xad: {  	[dreg:$0x0] =	wrdreg $0x60  }
0xae: {  	[dreg:$0x2] =	wrdreg s24  }
0xaf: {  	[dreg:$0x3] =	wrdreg s2  }
0xb0: {  	[dreg:$0x4] =	wrdreg $0xA8000  }
0xb1: {  	[dreg:$0x5] =	wrdreg $0x9  }
0xb2: {  	_ =	task.clear_ibuf [dreg:s7], $0x6FFFF;
	_ =	strace $0x90000049  }
0xb3: {  	s29 =	simm.s32 $0x9;
	_ =	strace $0x8000004B  }
0xb4: {  	_ =	swait.ge [sflag:s29], $0x1  }
0xb5: {  	[sflag:s29] =	ssyncadd.s32 $0xFFFFFFFF  }
0xb6: {  	_ =	strace $0x9000004B  }
0xb7: {  	_ =	sfence  }
0xb8: {  	s30 =	sld [smem:$0x0];
	_ =	sdelay $0x2  }
0xb9: {  	s31 =	sshll.u32 s1, $0xD;
	s1 =	sshrl.u32 s1, $0x2  }
0xba: {  	s3 =	sand.u32 $0x4000, s31;
	s1 =	sadd.s32 s1, s30  }
0xbb: {  	s0 =	sor.u32 s3, s0;
	s1 =	sshll.u32 s1, $0x11  }
0xbc: {  	s0 =	sor.u32 s1, s0  }
0xbd: {  	s0 =	sadd.s32 $0x8F2B, s0  }
0xbe: {  	[sflag:s0] =	ssyncadd.remote.s32 $0x1  }
0xbf: {  	_ =	sfence.sel $0xFFFF  }
0xc0: {  	[dreg:$0x0] =	wrdreg $0xFFFFFFFF;
	(pc) =	sbr.abs _section_cstart, $3  }
0xc1: {  	[dreg:$0x1] =	wrdreg $0xFFFFFFFF  }
0xc2: {  	_ =	task.clear_ibuf [dreg:s7], $0x2FFFF;
	_ =	strace $0x9FFFFFFF  }
0xc3: {  	(tm) =	ssettm $0x7FFFFFFF  }
tec
execute0_lowered:
.L_overlay_start_1:
0x0: {  	(tag) =	ssettag $0x1  }
0x1: {  	s10 =	rddreg [dreg:$0x0]  }
0x2: {  	s1 =	rddreg [dreg:$0x1]  }
0x3: {  	s2 =	rddreg [dreg:$0x2];
	s4 =	simm.s32 $0x0  }
0x4: {  	s3 =	stileid.u32;
	s8 =	srdreg.scid;
	s17 =	simm.s32 $0x1400  }
0x5: {  	s18 =	simm.s32 $0x80;
	s19 =	simm.s32 $0x2800;
	s20 =	simm.s32 $0x6800  }
0x6: {  	s21 =	simm.s32 $0x1;
	s22 =	simm.s32 $0x2;
	s23 =	simm.s32 $0x1380  }
0x7: {  	s24 =	simm.s32 $0x2700;
	s25 =	simm.s32 $0x2780;
	[smem:$0x7FF] =	sst s4  }
0x8: {  	s5 =	sadd.s32 $0x5200, s10;
	s6 =	sadd.s32 $0x37200, s10;
	s7 =	smul.u32 $0x2780, s3  }
0x9: {  	s15 =	sand.u32 $0x1, s8;
	s8 =	sadd.s32 $0x5EA00, s10;
	s12 =	smul.u32 $0x4F000, s3  }
0xa: {  	s9 =	sadd.s32 $0xADA00, s10;
	s31 =	sshll.u32 s3, $0x6;
	_ =	strace $0x8000004A  }
.Ltmp0:
0xb: {  	s11 =	ssub.s32 $0x2, s15;
	p0 =	sne.s32 s15, $0x0;
	(pc) =	sbr.rel .LBB2_1-.Ltmp0, $4  }
0xc: {  	s13 =	sadd.s32 s7, s10;
	s14 =	sshrl.u32 s11, $0x1;
	s10 =	sadd.s32 $0xD5200, s10  }
0xd: {  	s30 =	sshrl.u32 s12, $0x2;
	s12 =	sor.u32 $0x1C03, s31;
	s14 =	ssub.s32 s11, s14  }
0xe: {  	s16 =	sadd.s32 s30, s2;
	s11 =	sadd.s32 $0xFA00, s13;
	s13 =	smul.u32 $0xA0, s3  }
0xf: {  	s14 =	smax.u32 s14, $0x1;
	s15 =	sshrl.u32 s16, $0x3;
	s16 =	simm.s32 $0x3  }
.LBB2_10:
0x10: {  	s4 =	sadd.s32 $0x1, s4  }
0x11: {  	p1 =	sne.s32 s4, s14  }
.Ltmp1:
0x12: {  	s0 =	sadd.s32 s26, s7;
	[bflag:$0x0] =	sbarrier.arrive $0xFFFF;
	(pc) =	sbr.rel @!p1 .LBB2_11-.Ltmp1, $4  }
0x13: {  	[hbm:s0], [sflag:s12] =	dma.local [spmem:s15], $0x2780  }
0x14: {  	_ =	swait.ge [sflag:s16], $0x2780  }
0x15: {  	[sflag:s16] =	ssyncset.done $0x0  }
0x16: {  	[sflag:s16] =	ssyncadd.s32 $0xFFFFD880  }
.LBB2_1:
0x17: {  	[spmem:s15], [sflag:s12] =	dma.local [hbm:s11], $0x2780  }
.Ltmp2:
0x18: {  	_ =	swait.ge [sflag:s16], $0x2780;
	(pc) =	sbr.rel @p0 .LBB2_6-.Ltmp2, $4  }
0x19: {  	[sflag:s16] =	ssyncset.done $0x0  }
0x1a: {  	[sflag:s16] =	ssyncadd.s32 $0xFFFFD880  }
0x1b: {  	[bflag:$0x0] =	sbarrier.arrive $0xFFFF  }
0x1c: {  	s26 =	simm.s32 $0x0;
	s28 =	simm.s32 $0x0  }
.LBB2_2:
0x1d: {  	s28 =	smul.u32 $0x28, s26;
	_ =	sdelay $0x1  }
0x1e: {  	s28 =	sadd.s32 s13, s28  }
0x1f: {  	s28 =	sshll.u32 s28, $0x4  }
0x20: {  	s30 =	simm.s32 $0x0;
	s29 =	sadd.s32 s5, s28  }
0x21: {  	[tilespmem:s30], [sflag:$0x3] =	stream.linear.gather [hbm4b:s29+s30], $0x1400, $0x38;
	[tilespmem:$0x1E400] =	vst v63  }
0x22: {  	_ =	swait.ge [sflag:s16], $0x1400  }
0x23: {  	[sflag:s16] =	ssyncset.done $0x0  }
0x24: {  	s28 =	sadd.s32 s1, s28;
	[sflag:s16] =	ssyncadd.s32 $0xFFFFEC00  }
0x25: {  	[tilespmem:s17], [sflag:$0x3] =	stream.linear.gather [hbm4b:s28+s30], $0x1400, $0x38;
	[tilespmem:$0x1E400] =	vst v63  }
0x26: {  	_ =	swait.ge [sflag:s16], $0x1400  }
0x27: {  	[sflag:s16] =	ssyncset.done $0x0  }
0x28: {  	[sflag:s16] =	ssyncadd.s32 $0xFFFFEC00  }
0x29: {  	[tilespmem:s19], [sflag:$0x1] =	stream.indirect.gather [hbm4b:s6+s18], $0x80, s30, s18, $0xb8;
	[tilespmem:$0x1E400] =	vst v63  }
0x2a: {  	s28 =	simm.s32 $0x80  }
0x2b: {  	[tilespmem:s20], [sflag:$0x2] =	stream.indirect.gather [hbm4b:s6+s18], $0x80, s28, s18, $0xb8;
	[tilespmem:$0x1E400] =	vst v63  }
0x2c: {  	_ =	swait.ge [sflag:s21], $0x4000  }
0x2d: {  	[sflag:s21] =	ssyncset.done $0x0  }
0x2e: {  	s28 =	simm.s32 $0x1400;
	[sflag:s21] =	ssyncadd.s32 $0xFFFFC000  }
0x2f: {  	[spmem:s2] =	stream.indirect.scatter.add.f32 [tilespmem:s19], [sflag:$0x3], $0x80, s28, s18, $0xb8;
	[tilespmem:$0x1E400] =	vst v63  }
0x30: {  	_ =	swait.ge [sflag:s16], $0x4000  }
0x31: {  	[sflag:s16] =	ssyncset.done $0x0  }
0x32: {  	s28 =	simm.s32 $0x100;
	[sflag:s16] =	ssyncadd.s32 $0xFFFFC000  }
0x33: {  	[tilespmem:s19], [sflag:$0x1] =	stream.indirect.gather [hbm4b:s6+s18], $0x80, s28, s18, $0xb8;
	[tilespmem:$0x1E400] =	vst v63  }
0x34: {  	_ =	swait.ge [sflag:s22], $0x4000  }
0x35: {  	[sflag:s22] =	ssyncset.done $0x0  }
0x36: {  	s28 =	simm.s32 $0x1480;
	[sflag:s22] =	ssyncadd.s32 $0xFFFFC000  }
0x37: {  	[spmem:s2] =	stream.indirect.scatter.add.f32 [tilespmem:s20], [sflag:$0x3], $0x80, s28, s18, $0xb8;
	[tilespmem:$0x1E400] =	vst v63  }
0x38: {  	_ =	swait.ge [sflag:s16], $0x4000  }
0x39: {  	s29 =	simm.s32 $0x800;
	s28 =	simm.s32 $0x100;
	[sflag:s16] =	ssyncset.done $0x0  }
.LBB2_3:
0x3a: {  	s30 =	sadd.s32 $0x80, s28  }
0x3b: {  	[sflag:s16] =	ssyncadd.s32 $0xFFFFC000;
	s31 =	smov.u32 s29;
	s0 =	sadd.s32 $0x400, s29  }
0x3c: {  	[tilespmem:s20], [sflag:$0x2] =	stream.indirect.gather [hbm4b:s6+s18], $0x80, s30, s18, $0xb8;
	[tilespmem:$0x1E400] =	vst v63  }
0x3d: {  	p1 =	sne.s32 s29, $0x4800;
	_ =	swait.ge [sflag:s21], $0x4000  }
0x3e: {  	[sflag:s21] =	ssyncset.done $0x0  }
0x3f: {  	s29 =	sadd.s32 $0x1400, s28;
	[sflag:s21] =	ssyncadd.s32 $0xFFFFC000  }
0x40: {  	[spmem:s2] =	stream.indirect.scatter.add.f32 [tilespmem:s19], [sflag:$0x3], $0x80, s29, s18, $0xb8;
	[tilespmem:$0x1E400] =	vst v63  }
0x41: {  	_ =	swait.ge [sflag:s16], $0x4000  }
0x42: {  	[sflag:s16] =	ssyncset.done $0x0  }
0x43: {  	s29 =	sadd.s32 $0x100, s28;
	[sflag:s16] =	ssyncadd.s32 $0xFFFFC000  }
0x44: {  	[tilespmem:s19], [sflag:$0x1] =	stream.indirect.gather [hbm4b:s6+s18], $0x80, s29, s18, $0xb8;
	[tilespmem:$0x1E400] =	vst v63  }
0x45: {  	_ =	swait.ge [sflag:s22], $0x4000  }
.Ltmp3:
0x46: {  	[sflag:s22] =	ssyncset.done $0x0;
	(pc) =	sbr.rel @p1 .LBB2_3-.Ltmp3, $4  }
0x47: {  	s28 =	sadd.s32 $0x1480, s28;
	[sflag:s22] =	ssyncadd.s32 $0xFFFFC000  }
0x48: {  	[spmem:s2] =	stream.indirect.scatter.add.f32 [tilespmem:s20], [sflag:$0x3], $0x80, s28, s18, $0xb8;
	[tilespmem:$0x1E400] =	vst v63  }
0x49: {  	_ =	swait.ge [sflag:s16], $0x4000  }
0x4a: {  	s29 =	smov.u32 s0;
	s28 =	sshra.s32 s31, $0x2;
	[sflag:s16] =	ssyncset.done $0x0  }
0x4b: {  	s0 =	sadd.s32 $0x80, s28;
	[sflag:s16] =	ssyncadd.s32 $0xFFFFC000  }
0x4c: {  	[tilespmem:s20], [sflag:$0x2] =	stream.indirect.gather [hbm4b:s6+s18], $0x80, s0, s18, $0xb8;
	[tilespmem:$0x1E400] =	vst v63  }
0x4d: {  	_ =	swait.ge [sflag:s21], $0x4000  }
0x4e: {  	[sflag:s21] =	ssyncset.done $0x0  }
0x4f: {  	s29 =	sadd.s32 $0x1400, s28;
	[sflag:s21] =	ssyncadd.s32 $0xFFFFC000  }
0x50: {  	[spmem:s2] =	stream.indirect.scatter.add.f32 [tilespmem:s19], [sflag:$0x3], $0x80, s29, s18, $0xb8;
	[tilespmem:$0x1E400] =	vst v63  }
0x51: {  	_ =	swait.ge [sflag:s16], $0x4000  }
0x52: {  	[sflag:s16] =	ssyncset.done $0x0  }
0x53: {  	s30 =	sadd.s32 $0x100, s28;
	[sflag:s16] =	ssyncadd.s32 $0xFFFFC000  }
0x54: {  	[tilespmem:s19], [sflag:$0x1] =	stream.indirect.gather [hbm4b:s6+s18], $0x80, s30, s18, $0xb8;
	[tilespmem:$0x1E400] =	vst v63  }
0x55: {  	_ =	swait.ge [sflag:s22], $0x4000  }
0x56: {  	[sflag:s22] =	ssyncset.done $0x0  }
0x57: {  	s31 =	sadd.s32 $0x1480, s28;
	[sflag:s22] =	ssyncadd.s32 $0xFFFFC000  }
0x58: {  	[spmem:s2] =	stream.indirect.scatter.add.f32 [tilespmem:s20], [sflag:$0x3], $0x80, s31, s18, $0xb8;
	[tilespmem:$0x1E400] =	vst v63  }
0x59: {  	_ =	swait.ge [sflag:s16], $0x4000  }
0x5a: {  	[sflag:s16] =	ssyncset.done $0x0  }
0x5b: {  	[sflag:s16] =	ssyncadd.s32 $0xFFFFC000  }
0x5c: {  	[tilespmem:s20], [sflag:$0x2] =	stream.indirect.gather [hbm4b:s6+s18], $0x80, s23, s18, $0xb8;
	[tilespmem:$0x1E400] =	vst v63  }
0x5d: {  	_ =	swait.ge [sflag:s21], $0x4000  }
0x5e: {  	[sflag:s21] =	ssyncset.done $0x0  }
0x5f: {  	[sflag:s21] =	ssyncadd.s32 $0xFFFFC000  }
0x60: {  	[spmem:s2] =	stream.indirect.scatter.add.f32 [tilespmem:s19], [sflag:$0x3], $0x80, s24, s18, $0xb8;
	[tilespmem:$0x1E400] =	vst v63  }
0x61: {  	_ =	swait.ge [sflag:s16], $0x4000  }
0x62: {  	[sflag:s16] =	ssyncset.done $0x0  }
0x63: {  	[sflag:s16] =	ssyncadd.s32 $0xFFFFC000  }
0x64: {  	s26 =	sadd.s32 $0x1, s26;
	_ =	swait.ge [sflag:s22], $0x4000  }
0x65: {  	p1 =	seq.s32 s26, $0x4;
	[sflag:s22] =	ssyncset.done $0x0  }
.Ltmp4:
0x66: {  	[sflag:s22] =	ssyncadd.s32 $0xFFFFC000;
	(pc) =	sbr.rel @!p1 .LBB2_2-.Ltmp4, $4  }
0x67: {  	[spmem:s2] =	stream.indirect.scatter.add.f32 [tilespmem:s20], [sflag:$0x3], $0x80, s25, s18, $0xb8;
	[tilespmem:$0x1E400] =	vst v63  }
0x68: {  	_ =	swait.ge [sflag:s16], $0x4000  }
0x69: {  	[sflag:s16] =	ssyncset.done $0x0  }
0x6a: {  	[sflag:s16] =	ssyncadd.s32 $0xFFFFC000  }
.Ltmp5:
0x6b: {  	(pc) =	sbr.rel .LBB2_10-.Ltmp5, $2  }
0x6c: {  	_ =	sdelay $0x2  }
0x6d: {  	s26 =	smov.u32 s9  }
.LBB2_6:
0x6e: {  	s0 =	smul.u32 $0x28, s28;
	_ =	sdelay $0x1  }
0x6f: {  	s0 =	sadd.s32 s13, s0  }
0x70: {  	s0 =	sshll.u32 s0, $0x4  }
0x71: {  	s29 =	simm.s32 $0x0;
	s26 =	sadd.s32 s5, s0  }
0x72: {  	[tilespmem:s29], [sflag:$0x3] =	stream.linear.gather [hbm4b:s26+s29], $0x1400, $0x38;
	[tilespmem:$0x1E400] =	vst v63  }
0x73: {  	_ =	swait.ge [sflag:s16], $0x1400  }
0x74: {  	[sflag:s16] =	ssyncset.done $0x0  }
0x75: {  	s0 =	sadd.s32 s1, s0;
	[sflag:s16] =	ssyncadd.s32 $0xFFFFEC00  }
0x76: {  	[tilespmem:s17], [sflag:$0x3] =	stream.linear.gather [hbm4b:s0+s29], $0x1400, $0x38;
	[tilespmem:$0x1E400] =	vst v63  }
0x77: {  	_ =	swait.ge [sflag:s16], $0x1400  }
0x78: {  	[sflag:s16] =	ssyncset.done $0x0  }
0x79: {  	[sflag:s16] =	ssyncadd.s32 $0xFFFFEC00  }
0x7a: {  	[tilespmem:s19], [sflag:$0x1] =	stream.indirect.gather [hbm4b:s8+s18], $0x80, s29, s18, $0xb8;
	[tilespmem:$0x1E400] =	vst v63  }
0x7b: {  	s31 =	simm.s32 $0x80  }
0x7c: {  	[tilespmem:s20], [sflag:$0x2] =	stream.indirect.gather [hbm4b:s8+s18], $0x80, s31, s18, $0xb8;
	[tilespmem:$0x1E400] =	vst v63  }
0x7d: {  	_ =	swait.ge [sflag:s21], $0x4000  }
0x7e: {  	[sflag:s21] =	ssyncset.done $0x0  }
0x7f: {  	s26 =	simm.s32 $0x1400;
	[sflag:s21] =	ssyncadd.s32 $0xFFFFC000  }
0x80: {  	[spmem:s2] =	stream.indirect.scatter.add.f32 [tilespmem:s19], [sflag:$0x3], $0x80, s26, s18, $0xb8;
	[tilespmem:$0x1E400] =	vst v63  }
0x81: {  	_ =	swait.ge [sflag:s16], $0x4000  }
0x82: {  	[sflag:s16] =	ssyncset.done $0x0  }
0x83: {  	s30 =	simm.s32 $0x100;
	[sflag:s16] =	ssyncadd.s32 $0xFFFFC000  }
0x84: {  	[tilespmem:s19], [sflag:$0x1] =	stream.indirect.gather [hbm4b:s8+s18], $0x80, s30, s18, $0xb8;
	[tilespmem:$0x1E400] =	vst v63  }
0x85: {  	_ =	swait.ge [sflag:s22], $0x4000  }
0x86: {  	[sflag:s22] =	ssyncset.done $0x0  }
0x87: {  	s31 =	simm.s32 $0x1480;
	[sflag:s22] =	ssyncadd.s32 $0xFFFFC000  }
0x88: {  	[spmem:s2] =	stream.indirect.scatter.add.f32 [tilespmem:s20], [sflag:$0x3], $0x80, s31, s18, $0xb8;
	[tilespmem:$0x1E400] =	vst v63  }
0x89: {  	_ =	swait.ge [sflag:s16], $0x4000  }
0x8a: {  	s29 =	simm.s32 $0x800;
	s26 =	simm.s32 $0x100;
	[sflag:s16] =	ssyncset.done $0x0  }
.LBB2_7:
0x8b: {  	s0 =	sadd.s32 $0x80, s26  }
0x8c: {  	[sflag:s16] =	ssyncadd.s32 $0xFFFFC000;
	s30 =	smov.u32 s29;
	s31 =	sadd.s32 $0x400, s29  }
0x8d: {  	[tilespmem:s20], [sflag:$0x2] =	stream.indirect.gather [hbm4b:s8+s18], $0x80, s0, s18, $0xb8;
	[tilespmem:$0x1E400] =	vst v63  }
0x8e: {  	p1 =	sne.s32 s29, $0x4800;
	_ =	swait.ge [sflag:s21], $0x4000  }
0x8f: {  	[sflag:s21] =	ssyncset.done $0x0  }
0x90: {  	s0 =	sadd.s32 $0x1400, s26;
	[sflag:s21] =	ssyncadd.s32 $0xFFFFC000  }
0x91: {  	[spmem:s2] =	stream.indirect.scatter.add.f32 [tilespmem:s19], [sflag:$0x3], $0x80, s0, s18, $0xb8;
	[tilespmem:$0x1E400] =	vst v63  }
0x92: {  	_ =	swait.ge [sflag:s16], $0x4000  }
0x93: {  	[sflag:s16] =	ssyncset.done $0x0  }
0x94: {  	s0 =	sadd.s32 $0x100, s26;
	[sflag:s16] =	ssyncadd.s32 $0xFFFFC000  }
0x95: {  	[tilespmem:s19], [sflag:$0x1] =	stream.indirect.gather [hbm4b:s8+s18], $0x80, s0, s18, $0xb8;
	[tilespmem:$0x1E400] =	vst v63  }
0x96: {  	_ =	swait.ge [sflag:s22], $0x4000  }
.Ltmp6:
0x97: {  	[sflag:s22] =	ssyncset.done $0x0;
	(pc) =	sbr.rel @p1 .LBB2_7-.Ltmp6, $4  }
0x98: {  	s0 =	sadd.s32 $0x1480, s26;
	[sflag:s22] =	ssyncadd.s32 $0xFFFFC000  }
0x99: {  	[spmem:s2] =	stream.indirect.scatter.add.f32 [tilespmem:s20], [sflag:$0x3], $0x80, s0, s18, $0xb8;
	[tilespmem:$0x1E400] =	vst v63  }
0x9a: {  	_ =	swait.ge [sflag:s16], $0x4000  }
0x9b: {  	s29 =	smov.u32 s31;
	s26 =	sshra.s32 s30, $0x2;
	[sflag:s16] =	ssyncset.done $0x0  }
0x9c: {  	s0 =	sadd.s32 $0x80, s26;
	[sflag:s16] =	ssyncadd.s32 $0xFFFFC000  }
0x9d: {  	[tilespmem:s20], [sflag:$0x2] =	stream.indirect.gather [hbm4b:s8+s18], $0x80, s0, s18, $0xb8;
	[tilespmem:$0x1E400] =	vst v63  }
0x9e: {  	_ =	swait.ge [sflag:s21], $0x4000  }
0x9f: {  	[sflag:s21] =	ssyncset.done $0x0  }
0xa0: {  	s29 =	sadd.s32 $0x1400, s26;
	[sflag:s21] =	ssyncadd.s32 $0xFFFFC000  }
0xa1: {  	[spmem:s2] =	stream.indirect.scatter.add.f32 [tilespmem:s19], [sflag:$0x3], $0x80, s29, s18, $0xb8;
	[tilespmem:$0x1E400] =	vst v63  }
0xa2: {  	_ =	swait.ge [sflag:s16], $0x4000  }
0xa3: {  	[sflag:s16] =	ssyncset.done $0x0  }
0xa4: {  	s30 =	sadd.s32 $0x100, s26;
	[sflag:s16] =	ssyncadd.s32 $0xFFFFC000  }
0xa5: {  	[tilespmem:s19], [sflag:$0x1] =	stream.indirect.gather [hbm4b:s8+s18], $0x80, s30, s18, $0xb8;
	[tilespmem:$0x1E400] =	vst v63  }
0xa6: {  	_ =	swait.ge [sflag:s22], $0x4000  }
0xa7: {  	[sflag:s22] =	ssyncset.done $0x0  }
0xa8: {  	s31 =	sadd.s32 $0x1480, s26;
	[sflag:s22] =	ssyncadd.s32 $0xFFFFC000  }
0xa9: {  	[spmem:s2] =	stream.indirect.scatter.add.f32 [tilespmem:s20], [sflag:$0x3], $0x80, s31, s18, $0xb8;
	[tilespmem:$0x1E400] =	vst v63  }
0xaa: {  	_ =	swait.ge [sflag:s16], $0x4000  }
0xab: {  	[sflag:s16] =	ssyncset.done $0x0  }
0xac: {  	[sflag:s16] =	ssyncadd.s32 $0xFFFFC000  }
0xad: {  	[tilespmem:s20], [sflag:$0x2] =	stream.indirect.gather [hbm4b:s8+s18], $0x80, s23, s18, $0xb8;
	[tilespmem:$0x1E400] =	vst v63  }
0xae: {  	_ =	swait.ge [sflag:s21], $0x4000  }
0xaf: {  	[sflag:s21] =	ssyncset.done $0x0  }
0xb0: {  	[sflag:s21] =	ssyncadd.s32 $0xFFFFC000  }
0xb1: {  	[spmem:s2] =	stream.indirect.scatter.add.f32 [tilespmem:s19], [sflag:$0x3], $0x80, s24, s18, $0xb8;
	[tilespmem:$0x1E400] =	vst v63  }
0xb2: {  	_ =	swait.ge [sflag:s16], $0x4000  }
0xb3: {  	[sflag:s16] =	ssyncset.done $0x0  }
0xb4: {  	[sflag:s16] =	ssyncadd.s32 $0xFFFFC000  }
0xb5: {  	s28 =	sadd.s32 $0x1, s28;
	_ =	swait.ge [sflag:s22], $0x4000  }
0xb6: {  	p1 =	sne.s32 s28, $0x4;
	[sflag:s22] =	ssyncset.done $0x0  }
.Ltmp7:
0xb7: {  	[sflag:s22] =	ssyncadd.s32 $0xFFFFC000;
	(pc) =	sbr.rel @p1 .LBB2_6-.Ltmp7, $4  }
0xb8: {  	[spmem:s2] =	stream.indirect.scatter.add.f32 [tilespmem:s20], [sflag:$0x3], $0x80, s25, s18, $0xb8;
	[tilespmem:$0x1E400] =	vst v63  }
0xb9: {  	_ =	swait.ge [sflag:s16], $0x4000  }
0xba: {  	[sflag:s16] =	ssyncset.done $0x0  }
0xbb: {  	[sflag:s16] =	ssyncadd.s32 $0xFFFFC000  }
.Ltmp8:
0xbc: {  	(pc) =	sbr.rel .LBB2_10-.Ltmp8, $2  }
0xbd: {  	_ =	sdelay $0x2  }
0xbe: {  	s26 =	smov.u32 s10  }
.LBB2_11:
0xbf: {  	_ =	sfence.sel $0x180000  }
0xc0: {  	[bflag:$0x0] =	sbarrier.arrive $0xFFFF  }
0xc1: {  	_ =	strace $0x9000004A  }
0xc2: {  	[bflag:$0x2] =	sbarrier.arrive $0xFFFF  }
0xc3: {  	p0 =	sne.s32 s3, $0x0;
	s0 =	rddreg [dreg:$0x3]  }
0xc4: {  	s0 =	sadd.s32 @!p0 $0x100000, s0  }
0xc5: {  	[sflag:s0] =	ssyncadd.tile.s32 @!p0 $0x1;
	_ =	shalt  }
.Lfunc_end2:
_tile_overlayer_lowered:
.L_overlay_start_2:
0xc6: {  	(tag) =	ssettag $0x2  }
0xc7: {  	s0 =	rddreg [dreg:$0x0];
	s2 =	stileid.u32  }
0xc8: {  	s1 =	rddreg [dreg:$0x1];
	p0 =	sne.s32 s2, $0x0  }
0xc9: {  	s3 =	rddreg [dreg:$0x2];
	[bflag:$0x3] =	sbarrier.arrive $0xFFFF;
	s2 =	simm.s32 @!p0 $0x1C03  }
0xca: {  	[timem:s3], [sflag:s2] =	dma.local @!p0 [hbm:s0], s1  }
0xcb: {  	s0 =	simm.s32 @!p0 $0x3  }
0xcc: {  	_ =	swait.ge @!p0 [sflag:s0], s1  }
0xcd: {  	s1 =	ssub.s32 @!p0 $0x0, s1;
	[sflag:s0] =	ssyncset.done @!p0 $0x0  }
0xce: {  	[sflag:s0] =	ssyncadd.s32 @!p0 s1  }
0xcf: {  	[bflag:$0x3] =	sbarrier.arrive $0xFFFF  }
0xd0: {  	_ =	shalt  }

// kernel: kernel.14.cloned.1.call-start
scs
__scs_entry_jumppad:
0x0: {  	(pc) =	sbr.rel $0x88, $3  }
0x1: {  	(tag) =	ssettag $0x0;
	lr =	simm.s32 $0x1  }
0x2: {  	[smem:$0x3F95] =	sst lr;
	_ =	strace $0xD0000000  }
0x3: {  	_ = 	snop  }
0x4: {  	_ = 	snop  }
0x5: {  	_ = 	snop  }
0x6: {  	_ = 	snop  }
0x7: {  	_ = 	snop  }
__scs_overlays_trampoline_lowered:
0x8: {  	[smem:$0x3FA4] =	sst s0  }
0x9: {  	[smem:$0x3FA5] =	sst s1  }
0xa: {  	[smem:$0x3FA6] =	sst s2  }
0xb: {  	[smem:$0x3FA7] =	sst s3  }
0xc: {  	[smem:$0x3FA8] =	sst s4  }
0xd: {  	[smem:$0x3FA9] =	sst s5  }
0xe: {  	[smem:$0x3FAA] =	sst s6  }
0xf: {  	[smem:$0x3FAB] =	sst s7  }
0x10: {  	[smem:$0x3FAC] =	sst s8  }
0x11: {  	[smem:$0x3FAD] =	sst s9;
	s0 =	simm.s32 @!p0 $0x0  }
0x12: {  	s1 =	sld [smem:$0x3F93];
	s0 =	simm.s32 @p0 $0x1  }
0x13: {  	[smem:$0x3FAE] =	sst s0;
	s0 =	simm.s32 @!p1 $0x0  }
0x14: {  	s2 =	sld [smem:$0x3F92];
	s0 =	simm.s32 @p1 $0x1  }
0x15: {  	[smem:$0x3FAF] =	sst s0;
	s0 =	simm.s32 @!p2 $0x0  }
0x16: {  	s3 =	sld [smem:$0x3FDB];
	s0 =	simm.s32 @p2 $0x1  }
0x17: {  	s4 =	simm.s32 $0x1BF5;
	[smem:$0x3FB1] =	sst s0  }
0x18: {  	s0 =	sld [smem:$0x3F94];
	_ =	swait.ge [sflag:s4], $0x0  }
0x19: {  	s7 =	sld [smem:$0x3F95]  }
0x1a: {  	s8 =	sadd.s32 $0xFFFFE003, lr  }
0x1b: {  	s9 =	sadd.s32 $0xFFFFFEF7, lr;
	s5 =	simm.s32 $0xFFFFFFFF;
	p2 =	slt.u32 s8, $0xFFFFF086  }
0x1c: {  	p1 =	slt.u32 s9, $0xF7A;
	s5 =	simm.s32 @!p2 $0x0  }
0x1d: {  	s5 =	simm.s32 @p1 $0x1;
	p0 =	seq.s32 s7, s2  }
0x1e: {  	s7 =	smul.u32 @!p0 $0xF7A, s2;
	p2 =	seq.s32 @!p0 s5, $0x0  }
0x1f: {  	s9 =	smul.u32 $0xF7A, s1;
	s8 =	simm.s32 @!p0 $0x1BF5;
	p2 =	por !p2, p0  }
0x20: {  	[sflag:s8] =	ssyncset.s32 @!p0 $0xFFFFF086;
	s6 =	sadd.s32 @!p0 s3, s7;
	s7 =	simm.s32 @!p0 $0x108  }
0x21: {  	s3 =	sadd.s32 s3, s9;
	s6 =	sadd.s32 @!p0 $0x88, s6;
	s7 =	simm.s32 @p2 $0x1082  }
0x22: {  	[simem:s7], [sflag:s8] =	dma.local @!p0 [hbm:s6], $0xF7A  }
0x23: {  	s9 =	sor.u32 $0xD0000000, s2;
	s6 =	simm.s32 $0x108;
	_ =	swait.ge @!p0 [sflag:s8], $0x0  }
0x24: {  	s3 =	sadd.s32 $0x88, s3;
	s6 =	simm.s32 @!p1 $0x1082;
	[sflag:s4] =	ssyncset.s32 $0xFFFFF086  }
0x25: {  	[simem:s6], [sflag:s4] =	dma.local [hbm:s3], $0xF7A  }
0x26: {  	[smem:$0x3F95] =	sst s1;
	(tag) =	ssettag s2;
	_ =	strace s9  }
0x27: {  	s1 =	sld [smem:$0x3FA5]  }
0x28: {  	s2 =	sld [smem:$0x3FA6]  }
0x29: {  	s4 =	sld [smem:$0x3FA8]  }
0x2a: {  	p0 =	seq.s32 s5, $0x0;
	s5 =	sld [smem:$0x3FA9]  }
0x2b: {  	s6 =	sld [smem:$0x3FAA]  }
0x2c: {  	s7 =	sld [smem:$0x3FAB]  }
0x2d: {  	s3 =	simm.s32 $0x108;
	s8 =	sld [smem:$0x3FAC]  }
0x2e: {  	s3 =	simm.s32 @!p0 $0x1082;
	s9 =	sld [smem:$0x3FAD]  }
0x2f: {  	lr =	sadd.s32 s0, s3;
	s0 =	sld [smem:$0x3FA4]  }
0x30: {  	s3 =	sld [smem:$0x3FA7]  }
0x31: {  	[smem:$0x3FB0] =	sst s10  }
0x32: {  	s10 =	sld [smem:$0x3FAE];
	_ =	sdelay $0x3  }
0x33: {  	p0 =	seq.s32 s10, $0x1;
	s10 =	sld [smem:$0x3FB0];
	_ =	sdelay $0x3  }
0x34: {  	[smem:$0x3FB0] =	sst s10  }
0x35: {  	s10 =	sld [smem:$0x3FAF];
	_ =	sdelay $0x3  }
0x36: {  	p1 =	seq.s32 s10, $0x1;
	s10 =	sld [smem:$0x3FB0];
	_ =	sdelay $0x3  }
0x37: {  	[smem:$0x3FB0] =	sst s10  }
0x38: {  	s10 =	sld [smem:$0x3FB1]  }
0x39: {  	_ = 	snop;
	(pc) =	sbr.ind lr, $3  }
0x3a: {  	_ = 	snop  }
0x3b: {  	_ = 	snop  }
0x3c: {  	p2 =	seq.s32 s10, $0x1;
	s10 =	sld [smem:$0x3FB0]  }
0x3d: {  	_ =	shalt  }
0x3e: {  	_ =	shalt  }
0x3f: {  	_ =	shalt  }
0x40: {  	_ =	shalt  }
0x41: {  	_ =	shalt  }
0x42: {  	_ =	shalt  }
0x43: {  	_ =	shalt  }
0x44: {  	_ =	shalt  }
0x45: {  	_ =	shalt  }
0x46: {  	_ =	shalt  }
0x47: {  	_ =	shalt  }
0x48: {  	_ =	shalt  }
0x49: {  	_ =	shalt  }
0x4a: {  	_ =	shalt  }
0x4b: {  	_ =	shalt  }
0x4c: {  	_ =	shalt  }
0x4d: {  	_ =	shalt  }
0x4e: {  	_ =	shalt  }
0x4f: {  	_ =	shalt  }
0x50: {  	_ =	shalt  }
0x51: {  	_ =	shalt  }
0x52: {  	_ =	shalt  }
0x53: {  	_ =	shalt  }
0x54: {  	_ =	shalt  }
0x55: {  	_ =	shalt  }
0x56: {  	_ =	shalt  }
0x57: {  	_ =	shalt  }
0x58: {  	_ =	shalt  }
0x59: {  	_ =	shalt  }
0x5a: {  	_ =	shalt  }
0x5b: {  	_ =	shalt  }
0x5c: {  	_ =	shalt  }
0x5d: {  	_ =	shalt  }
0x5e: {  	_ =	shalt  }
0x5f: {  	_ =	shalt  }
0x60: {  	_ =	shalt  }
0x61: {  	_ =	shalt  }
0x62: {  	_ =	shalt  }
0x63: {  	_ =	shalt  }
0x64: {  	_ =	shalt  }
0x65: {  	_ =	shalt  }
0x66: {  	_ =	shalt  }
0x67: {  	_ =	shalt  }
0x68: {  	_ =	shalt  }
0x69: {  	_ =	shalt  }
0x6a: {  	_ =	shalt  }
0x6b: {  	_ =	shalt  }
0x6c: {  	_ =	shalt  }
0x6d: {  	_ =	shalt  }
0x6e: {  	_ =	shalt  }
0x6f: {  	_ =	shalt  }
0x70: {  	_ =	shalt  }
0x71: {  	_ =	shalt  }
0x72: {  	_ =	shalt  }
0x73: {  	_ =	shalt  }
0x74: {  	_ =	shalt  }
0x75: {  	_ =	shalt  }
0x76: {  	_ =	shalt  }
0x77: {  	_ =	shalt  }
0x78: {  	_ =	shalt  }
0x79: {  	_ =	shalt  }
0x7a: {  	_ =	shalt  }
0x7b: {  	_ =	shalt  }
0x7c: {  	_ =	shalt  }
0x7d: {  	_ =	shalt  }
0x7e: {  	_ =	shalt  }
0x7f: {  	_ =	shalt  }
0x80: {  	_ =	shalt  }
0x81: {  	_ =	shalt  }
0x82: {  	_ =	shalt  }
0x83: {  	_ =	shalt  }
0x84: {  	_ =	shalt  }
0x85: {  	_ =	shalt  }
0x86: {  	_ =	shalt  }
0x87: {  	_ =	shalt  }
.Lfunc_end0:
.L_simem_size_0:
called_computation.2_lowered:
.L_overlay_start_0:
0x88: {  	s2 =	sld [smem:$0x3FD9]  }
0x89: {  	s3 =	sld [smem:$0x3FFE];
	_ =	sdelay $0x1  }
0x8a: {  	s1 =	srdreg.scid  }
0x8b: {  	s0 =	sand.u32 $0x1, s1  }
0x8c: {  	s17 =	sshll.u32 s0, $0xA;
	s2 =	sadd.s32 s3, s2  }
0x8d: {  	s2 =	sadd.s32 s2, s17  }
0x8e: {  	[smem:$0x3FBC] =	sst s2  }
0x8f: {  	_ = 	snop  }
0x90: {  	s2 =	sld [smem:$0x3FD0];
	(tm) =	ssettm $0x1  }
0x91: {  	s18 =	sld [smem:$0x3FFB];
	_ =	sdelay $0x3  }
0x92: {  	_ =	strace s18  }
0x93: {  	s3 =	sld [smem:$0x3FFC];
	_ =	sdelay $0x3  }
0x94: {  	_ =	strace s3  }
0x95: {  	s3 =	sld [smem:$0x3FFD];
	_ =	sdelay $0x3  }
0x96: {  	_ =	strace s3  }
0x97: {  	_ =	strace $0x8FFFFFFF  }
0x98: {  	s19 =	sld [smem:$0x3FDB];
	_ =	sdelay $0x1  }
0x99: {  	s4 =	simm.s32 $_scs_section_size  }
0x9a: {  	s5 =	simm.s32 $_size__tile_overlayer_lowered;
	s6 =	simm.s32 $_tile_overlayer_lowered  }
0x9b: {  	s22 =	simm.s32 $0x1BFF;
	s21 =	sshll.u32 s6, $0x1;
	s3 =	sadd.s32 s4, s19  }
0x9c: {  	s7 =	simm.s32 $0x0;
	s20 =	sshll.u32 s5, $0x1;
	s5 =	sadd.s32 s21, s3  }
0x9d: {  	[timem:s7], [sflag:s22] =	dma.local [hbm:s5], s20  }
0x9e: {  	_ =	swait.ge [sflag:s22], s20  }
0x9f: {  	s4 =	ssub.s32 $0x0, s20;
	[sflag:s22] =	ssyncset.done $0x0  }
0xa0: {  	[sflag:s22] =	ssyncadd.s32 s4;
	_ =	sdelay $0x1  }
0xa1: {  	s23 =	simm.s32 $0x1B8B  }
0xa2: {  	_ =	swait.ge [sflag:s23], $0x1  }
0xa3: {  	[sflag:s23] =	ssyncset.done $0x0  }
0xa4: {  	s25 =	simm.s32 $0x1B8E;
	s24 =	sld [smem:$0x3FFE];
	[sflag:s23] =	ssyncadd.s32 $0xFFFFFFFF  }
0xa5: {  	s26 =	simm.s32 $execute0_lowered;
	[smem:$0x3FD2] =	sst s25  }
0xa6: {  	s5 =	sshll.u32 s26, $0x1;
	_ =	strace $0x8000004C;
	[dreg:$0x1] =	wrdreg $0xFFFFFFFF  }
0xa7: {  	s28 =	simm.s32 $_size_execute0_lowered;
	s3 =	sadd.s32 s3, s5;
	[dreg:$0x0] =	wrdreg $0x0  }
0xa8: {  	s5 =	sshll.u32 s28, $0x1;
	[dreg:$0x2] =	wrdreg s3  }
0xa9: {  	[dreg:$0x3] =	wrdreg s5  }
0xaa: {  	[dreg:$0x4] =	wrdreg $0xC0  }
0xab: {  	_ =	task [dreg:s7], $0x5FFFF  }
0xac: {  	[dreg:$0x1] =	wrdreg $0xFFFFFFFF  }
0xad: {  	[dreg:$0x0] =	wrdreg $0x60  }
0xae: {  	[dreg:$0x2] =	wrdreg s24  }
0xaf: {  	[dreg:$0x3] =	wrdreg s2  }
0xb0: {  	[dreg:$0x4] =	wrdreg $0xA8000  }
0xb1: {  	[dreg:$0x5] =	wrdreg $0x9  }
0xb2: {  	_ =	task.clear_ibuf [dreg:s7], $0x6FFFF;
	_ =	strace $0x9000004C  }
0xb3: {  	s29 =	simm.s32 $0x9;
	_ =	strace $0x8000004E  }
0xb4: {  	_ =	swait.ge [sflag:s29], $0x1  }
0xb5: {  	[sflag:s29] =	ssyncadd.s32 $0xFFFFFFFF  }
0xb6: {  	_ =	strace $0x9000004E  }
0xb7: {  	_ =	sfence  }
0xb8: {  	s30 =	sld [smem:$0x0];
	_ =	sdelay $0x2  }
0xb9: {  	s31 =	sshll.u32 s1, $0xD;
	s1 =	sshrl.u32 s1, $0x2  }
0xba: {  	s3 =	sand.u32 $0x4000, s31;
	s1 =	sadd.s32 s1, s30  }
0xbb: {  	s0 =	sor.u32 s3, s0;
	s1 =	sshll.u32 s1, $0x11  }
0xbc: {  	s0 =	sor.u32 s1, s0  }
0xbd: {  	s0 =	sadd.s32 $0x8F2B, s0  }
0xbe: {  	[sflag:s0] =	ssyncadd.remote.s32 $0x1  }
0xbf: {  	_ =	sfence.sel $0xFFFF  }
0xc0: {  	[dreg:$0x0] =	wrdreg $0xFFFFFFFF;
	(pc) =	sbr.abs _section_cstart, $3  }
0xc1: {  	[dreg:$0x1] =	wrdreg $0xFFFFFFFF  }
0xc2: {  	_ =	task.clear_ibuf [dreg:s7], $0x2FFFF;
	_ =	strace $0x9FFFFFFF  }
0xc3: {  	(tm) =	ssettm $0x7FFFFFFF  }
tec
execute0_lowered:
.L_overlay_start_1:
0x0: {  	(tag) =	ssettag $0x1  }
0x1: {  	s5 =	rddreg [dreg:$0x0]  }
0x2: {  	s11 =	rddreg [dreg:$0x1]  }
0x3: {  	s2 =	rddreg [dreg:$0x2]  }
0x4: {  	s0 =	rddreg [dreg:$0x3]  }
0x5: {  	s3 =	simm.s32 $0x0;
	s1 =	stileid.u32;
	s4 =	srdreg.scid  }
0x6: {  	s16 =	simm.s32 $0x80;
	s17 =	simm.s32 $0x2800;
	s18 =	simm.s32 $0x6800  }
0x7: {  	s19 =	simm.s32 $0x1;
	s20 =	simm.s32 $0x2;
	s21 =	simm.s32 $0x1380  }
0x8: {  	s22 =	simm.s32 $0x2700;
	s23 =	simm.s32 $0x2780;
	s24 =	simm.s32 $0x0  }
0x9: {  	[smem:$0x7FF] =	sst s3;
	s6 =	smul.u32 $0x2780, s1;
	s10 =	sadd.s32 $0x5200, s5  }
0xa: {  	s7 =	sand.u32 $0x1, s4;
	s8 =	smul.u32 $0x4F000, s1;
	s4 =	sadd.s32 $0x37200, s5  }
0xb: {  	s14 =	smul.u32 $0x50, s1;
	s30 =	sshll.u32 s1, $0x6;
	_ =	strace $0x8000004D  }
0xc: {  	s9 =	ssub.s32 $0x2, s7;
	s12 =	smul.u32 $0x500, s7;
	p0 =	seq.s32 s7, $0x1  }
0xd: {  	s13 =	sshrl.u32 s9, $0x1;
	s8 =	sshrl.u32 s8, $0x2;
	s15 =	sadd.s32 s6, s5  }
0xe: {  	s6 =	sor.u32 $0x1C03, s30;
	s9 =	ssub.s32 s9, s13;
	s29 =	sadd.s32 s8, s2  }
0xf: {  	s5 =	sadd.s32 $0xFA00, s15;
	s31 =	sadd.s32 s14, s12;
	s14 =	simm.s32 $0xADA00  }
0x10: {  	s12 =	sshll.u32 s31, $0x4;
	s7 =	smax.u32 s9, $0x1;
	s14 =	simm.s32 @!p0 $0x5EA00  }
0x11: {  	s8 =	sadd.s32 s10, s12;
	s9 =	sadd.s32 s11, s12;
	s12 =	sadd.s32 $0x280, s12  }
0x12: {  	s13 =	sshrl.u32 s29, $0x3;
	s10 =	sadd.s32 s10, s12;
	s11 =	sadd.s32 s11, s12  }
0x13: {  	s12 =	sadd.s32 s14, s15;
	s14 =	simm.s32 $0x3;
	s15 =	simm.s32 $0x1400  }
.LBB2_1:
0x14: {  	[spmem:s13], [sflag:s6] =	dma.local [hbm:s5], $0x2780  }
0x15: {  	_ =	swait.ge [sflag:s14], $0x2780  }
0x16: {  	[sflag:s14] =	ssyncset.done $0x0  }
0x17: {  	[sflag:s14] =	ssyncadd.s32 $0xFFFFD880  }
0x18: {  	[bflag:$0x0] =	sbarrier.arrive $0xFFFF  }
0x19: {  	[tilespmem:s3], [sflag:$0x3] =	stream.linear.gather [hbm4b:s8+s3], $0x1400, $0x38;
	[tilespmem:$0x1E400] =	vst v63  }
0x1a: {  	_ =	swait.ge [sflag:s14], $0x1400  }
0x1b: {  	[sflag:s14] =	ssyncset.done $0x0  }
0x1c: {  	[sflag:s14] =	ssyncadd.s32 $0xFFFFEC00  }
0x1d: {  	[tilespmem:s15], [sflag:$0x3] =	stream.linear.gather [hbm4b:s9+s3], $0x1400, $0x38;
	[tilespmem:$0x1E400] =	vst v63  }
0x1e: {  	_ =	swait.ge [sflag:s14], $0x1400  }
0x1f: {  	[sflag:s14] =	ssyncset.done $0x0  }
0x20: {  	[sflag:s14] =	ssyncadd.s32 $0xFFFFEC00  }
0x21: {  	[tilespmem:s17], [sflag:$0x1] =	stream.indirect.gather [hbm4b:s4+s16], $0x80, s3, s16, $0xb8;
	[tilespmem:$0x1E400] =	vst v63  }
0x22: {  	s25 =	simm.s32 $0x80  }
0x23: {  	[tilespmem:s18], [sflag:$0x2] =	stream.indirect.gather [hbm4b:s4+s16], $0x80, s25, s16, $0xb8;
	[tilespmem:$0x1E400] =	vst v63  }
0x24: {  	_ =	swait.ge [sflag:s19], $0x4000  }
0x25: {  	[sflag:s19] =	ssyncset.done $0x0  }
0x26: {  	s29 =	simm.s32 $0x1400;
	[sflag:s19] =	ssyncadd.s32 $0xFFFFC000  }
0x27: {  	[spmem:s2] =	stream.indirect.scatter.add.f32 [tilespmem:s17], [sflag:$0x3], $0x80, s29, s16, $0xb8;
	[tilespmem:$0x1E400] =	vst v63  }
0x28: {  	_ =	swait.ge [sflag:s14], $0x4000  }
0x29: {  	[sflag:s14] =	ssyncset.done $0x0  }
0x2a: {  	s30 =	simm.s32 $0x100;
	[sflag:s14] =	ssyncadd.s32 $0xFFFFC000  }
0x2b: {  	[tilespmem:s17], [sflag:$0x1] =	stream.indirect.gather [hbm4b:s4+s16], $0x80, s30, s16, $0xb8;
	[tilespmem:$0x1E400] =	vst v63  }
0x2c: {  	_ =	swait.ge [sflag:s20], $0x4000  }
0x2d: {  	[sflag:s20] =	ssyncset.done $0x0  }
0x2e: {  	s31 =	simm.s32 $0x1480;
	[sflag:s20] =	ssyncadd.s32 $0xFFFFC000  }
0x2f: {  	[spmem:s2] =	stream.indirect.scatter.add.f32 [tilespmem:s18], [sflag:$0x3], $0x80, s31, s16, $0xb8;
	[tilespmem:$0x1E400] =	vst v63  }
0x30: {  	_ =	swait.ge [sflag:s14], $0x4000  }
0x31: {  	s26 =	simm.s32 $0x800;
	s25 =	simm.s32 $0x100;
	[sflag:s14] =	ssyncset.done $0x0  }
.LBB2_2:
0x32: {  	s28 =	sadd.s32 $0x80, s25  }
0x33: {  	[sflag:s14] =	ssyncadd.s32 $0xFFFFC000;
	s29 =	smov.u32 s26;
	s30 =	sadd.s32 $0x400, s26  }
0x34: {  	[tilespmem:s18], [sflag:$0x2] =	stream.indirect.gather [hbm4b:s4+s16], $0x80, s28, s16, $0xb8;
	[tilespmem:$0x1E400] =	vst v63  }
0x35: {  	p0 =	sne.s32 s26, $0x4800;
	_ =	swait.ge [sflag:s19], $0x4000  }
0x36: {  	[sflag:s19] =	ssyncset.done $0x0  }
0x37: {  	s26 =	sadd.s32 $0x1400, s25;
	[sflag:s19] =	ssyncadd.s32 $0xFFFFC000  }
0x38: {  	[spmem:s2] =	stream.indirect.scatter.add.f32 [tilespmem:s17], [sflag:$0x3], $0x80, s26, s16, $0xb8;
	[tilespmem:$0x1E400] =	vst v63  }
0x39: {  	_ =	swait.ge [sflag:s14], $0x4000  }
0x3a: {  	[sflag:s14] =	ssyncset.done $0x0  }
0x3b: {  	s26 =	sadd.s32 $0x100, s25;
	[sflag:s14] =	ssyncadd.s32 $0xFFFFC000  }
0x3c: {  	[tilespmem:s17], [sflag:$0x1] =	stream.indirect.gather [hbm4b:s4+s16], $0x80, s26, s16, $0xb8;
	[tilespmem:$0x1E400] =	vst v63  }
0x3d: {  	_ =	swait.ge [sflag:s20], $0x4000  }
.Ltmp0:
0x3e: {  	[sflag:s20] =	ssyncset.done $0x0;
	(pc) =	sbr.rel @p0 .LBB2_2-.Ltmp0, $4  }
0x3f: {  	s25 =	sadd.s32 $0x1480, s25;
	[sflag:s20] =	ssyncadd.s32 $0xFFFFC000  }
0x40: {  	[spmem:s2] =	stream.indirect.scatter.add.f32 [tilespmem:s18], [sflag:$0x3], $0x80, s25, s16, $0xb8;
	[tilespmem:$0x1E400] =	vst v63  }
0x41: {  	_ =	swait.ge [sflag:s14], $0x4000  }
0x42: {  	s26 =	smov.u32 s30;
	s25 =	sshra.s32 s29, $0x2;
	[sflag:s14] =	ssyncset.done $0x0  }
0x43: {  	s26 =	sadd.s32 $0x80, s25;
	[sflag:s14] =	ssyncadd.s32 $0xFFFFC000  }
0x44: {  	[tilespmem:s18], [sflag:$0x2] =	stream.indirect.gather [hbm4b:s4+s16], $0x80, s26, s16, $0xb8;
	[tilespmem:$0x1E400] =	vst v63  }
0x45: {  	_ =	swait.ge [sflag:s19], $0x4000  }
0x46: {  	[sflag:s19] =	ssyncset.done $0x0  }
0x47: {  	s29 =	sadd.s32 $0x1400, s25;
	[sflag:s19] =	ssyncadd.s32 $0xFFFFC000  }
0x48: {  	[spmem:s2] =	stream.indirect.scatter.add.f32 [tilespmem:s17], [sflag:$0x3], $0x80, s29, s16, $0xb8;
	[tilespmem:$0x1E400] =	vst v63  }
0x49: {  	_ =	swait.ge [sflag:s14], $0x4000  }
0x4a: {  	[sflag:s14] =	ssyncset.done $0x0  }
0x4b: {  	s30 =	sadd.s32 $0x100, s25;
	[sflag:s14] =	ssyncadd.s32 $0xFFFFC000  }
0x4c: {  	[tilespmem:s17], [sflag:$0x1] =	stream.indirect.gather [hbm4b:s4+s16], $0x80, s30, s16, $0xb8;
	[tilespmem:$0x1E400] =	vst v63  }
0x4d: {  	_ =	swait.ge [sflag:s20], $0x4000  }
0x4e: {  	[sflag:s20] =	ssyncset.done $0x0  }
0x4f: {  	s31 =	sadd.s32 $0x1480, s25;
	[sflag:s20] =	ssyncadd.s32 $0xFFFFC000  }
0x50: {  	[spmem:s2] =	stream.indirect.scatter.add.f32 [tilespmem:s18], [sflag:$0x3], $0x80, s31, s16, $0xb8;
	[tilespmem:$0x1E400] =	vst v63  }
0x51: {  	_ =	swait.ge [sflag:s14], $0x4000  }
0x52: {  	[sflag:s14] =	ssyncset.done $0x0  }
0x53: {  	[sflag:s14] =	ssyncadd.s32 $0xFFFFC000  }
0x54: {  	[tilespmem:s18], [sflag:$0x2] =	stream.indirect.gather [hbm4b:s4+s16], $0x80, s21, s16, $0xb8;
	[tilespmem:$0x1E400] =	vst v63  }
0x55: {  	_ =	swait.ge [sflag:s19], $0x4000  }
0x56: {  	[sflag:s19] =	ssyncset.done $0x0  }
0x57: {  	[sflag:s19] =	ssyncadd.s32 $0xFFFFC000  }
0x58: {  	[spmem:s2] =	stream.indirect.scatter.add.f32 [tilespmem:s17], [sflag:$0x3], $0x80, s22, s16, $0xb8;
	[tilespmem:$0x1E400] =	vst v63  }
0x59: {  	_ =	swait.ge [sflag:s14], $0x4000  }
0x5a: {  	[sflag:s14] =	ssyncset.done $0x0  }
0x5b: {  	[sflag:s14] =	ssyncadd.s32 $0xFFFFC000  }
0x5c: {  	_ =	swait.ge [sflag:s20], $0x4000  }
0x5d: {  	[sflag:s20] =	ssyncset.done $0x0  }
0x5e: {  	[sflag:s20] =	ssyncadd.s32 $0xFFFFC000  }
0x5f: {  	[spmem:s2] =	stream.indirect.scatter.add.f32 [tilespmem:s18], [sflag:$0x3], $0x80, s23, s16, $0xb8;
	[tilespmem:$0x1E400] =	vst v63  }
0x60: {  	_ =	swait.ge [sflag:s14], $0x4000  }
0x61: {  	[sflag:s14] =	ssyncset.done $0x0  }
0x62: {  	s26 =	simm.s32 $0x0;
	[sflag:s14] =	ssyncadd.s32 $0xFFFFC000  }
0x63: {  	[tilespmem:s26], [sflag:$0x3] =	stream.linear.gather [hbm4b:s10+s26], $0x1400, $0x38;
	[tilespmem:$0x1E400] =	vst v63  }
0x64: {  	_ =	swait.ge [sflag:s14], $0x1400  }
0x65: {  	[sflag:s14] =	ssyncset.done $0x0  }
0x66: {  	[sflag:s14] =	ssyncadd.s32 $0xFFFFEC00  }
0x67: {  	[tilespmem:s15], [sflag:$0x3] =	stream.linear.gather [hbm4b:s11+s26], $0x1400, $0x38;
	[tilespmem:$0x1E400] =	vst v63  }
0x68: {  	_ =	swait.ge [sflag:s14], $0x1400  }
0x69: {  	[sflag:s14] =	ssyncset.done $0x0  }
0x6a: {  	[sflag:s14] =	ssyncadd.s32 $0xFFFFEC00  }
0x6b: {  	[tilespmem:s17], [sflag:$0x1] =	stream.indirect.gather [hbm4b:s4+s16], $0x80, s26, s16, $0xb8;
	[tilespmem:$0x1E400] =	vst v63  }
0x6c: {  	s28 =	simm.s32 $0x80  }
0x6d: {  	[tilespmem:s18], [sflag:$0x2] =	stream.indirect.gather [hbm4b:s4+s16], $0x80, s28, s16, $0xb8;
	[tilespmem:$0x1E400] =	vst v63  }
0x6e: {  	_ =	swait.ge [sflag:s19], $0x4000  }
0x6f: {  	[sflag:s19] =	ssyncset.done $0x0  }
0x70: {  	s29 =	simm.s32 $0x1400;
	[sflag:s19] =	ssyncadd.s32 $0xFFFFC000  }
0x71: {  	[spmem:s2] =	stream.indirect.scatter.add.f32 [tilespmem:s17], [sflag:$0x3], $0x80, s29, s16, $0xb8;
	[tilespmem:$0x1E400] =	vst v63  }
0x72: {  	_ =	swait.ge [sflag:s14], $0x4000  }
0x73: {  	[sflag:s14] =	ssyncset.done $0x0  }
0x74: {  	s30 =	simm.s32 $0x100;
	[sflag:s14] =	ssyncadd.s32 $0xFFFFC000  }
0x75: {  	[tilespmem:s17], [sflag:$0x1] =	stream.indirect.gather [hbm4b:s4+s16], $0x80, s30, s16, $0xb8;
	[tilespmem:$0x1E400] =	vst v63  }
0x76: {  	_ =	swait.ge [sflag:s20], $0x4000  }
0x77: {  	[sflag:s20] =	ssyncset.done $0x0  }
0x78: {  	s31 =	simm.s32 $0x1480;
	[sflag:s20] =	ssyncadd.s32 $0xFFFFC000  }
0x79: {  	[spmem:s2] =	stream.indirect.scatter.add.f32 [tilespmem:s18], [sflag:$0x3], $0x80, s31, s16, $0xb8;
	[tilespmem:$0x1E400] =	vst v63  }
0x7a: {  	_ =	swait.ge [sflag:s14], $0x4000  }
0x7b: {  	s25 =	simm.s32 $0x100;
	s26 =	simm.s32 $0x800;
	[sflag:s14] =	ssyncset.done $0x0  }
.LBB2_4:
0x7c: {  	s28 =	sadd.s32 $0x80, s25  }
0x7d: {  	[sflag:s14] =	ssyncadd.s32 $0xFFFFC000;
	s29 =	smov.u32 s26;
	s30 =	sadd.s32 $0x400, s26  }
0x7e: {  	[tilespmem:s18], [sflag:$0x2] =	stream.indirect.gather [hbm4b:s4+s16], $0x80, s28, s16, $0xb8;
	[tilespmem:$0x1E400] =	vst v63  }
0x7f: {  	p0 =	sne.s32 s26, $0x4800;
	_ =	swait.ge [sflag:s19], $0x4000  }
0x80: {  	[sflag:s19] =	ssyncset.done $0x0  }
0x81: {  	s26 =	sadd.s32 $0x1400, s25;
	[sflag:s19] =	ssyncadd.s32 $0xFFFFC000  }
0x82: {  	[spmem:s2] =	stream.indirect.scatter.add.f32 [tilespmem:s17], [sflag:$0x3], $0x80, s26, s16, $0xb8;
	[tilespmem:$0x1E400] =	vst v63  }
0x83: {  	_ =	swait.ge [sflag:s14], $0x4000  }
0x84: {  	[sflag:s14] =	ssyncset.done $0x0  }
0x85: {  	s26 =	sadd.s32 $0x100, s25;
	[sflag:s14] =	ssyncadd.s32 $0xFFFFC000  }
0x86: {  	[tilespmem:s17], [sflag:$0x1] =	stream.indirect.gather [hbm4b:s4+s16], $0x80, s26, s16, $0xb8;
	[tilespmem:$0x1E400] =	vst v63  }
0x87: {  	_ =	swait.ge [sflag:s20], $0x4000  }
.Ltmp1:
0x88: {  	[sflag:s20] =	ssyncset.done $0x0;
	(pc) =	sbr.rel @p0 .LBB2_4-.Ltmp1, $4  }
0x89: {  	s25 =	sadd.s32 $0x1480, s25;
	[sflag:s20] =	ssyncadd.s32 $0xFFFFC000  }
0x8a: {  	[spmem:s2] =	stream.indirect.scatter.add.f32 [tilespmem:s18], [sflag:$0x3], $0x80, s25, s16, $0xb8;
	[tilespmem:$0x1E400] =	vst v63  }
0x8b: {  	_ =	swait.ge [sflag:s14], $0x4000  }
0x8c: {  	s26 =	smov.u32 s30;
	s25 =	sshra.s32 s29, $0x2;
	[sflag:s14] =	ssyncset.done $0x0  }
0x8d: {  	s26 =	sadd.s32 $0x80, s25;
	[sflag:s14] =	ssyncadd.s32 $0xFFFFC000  }
0x8e: {  	[tilespmem:s18], [sflag:$0x2] =	stream.indirect.gather [hbm4b:s4+s16], $0x80, s26, s16, $0xb8;
	[tilespmem:$0x1E400] =	vst v63  }
0x8f: {  	_ =	swait.ge [sflag:s19], $0x4000  }
0x90: {  	[sflag:s19] =	ssyncset.done $0x0  }
0x91: {  	s29 =	sadd.s32 $0x1400, s25;
	[sflag:s19] =	ssyncadd.s32 $0xFFFFC000  }
0x92: {  	[spmem:s2] =	stream.indirect.scatter.add.f32 [tilespmem:s17], [sflag:$0x3], $0x80, s29, s16, $0xb8;
	[tilespmem:$0x1E400] =	vst v63  }
0x93: {  	_ =	swait.ge [sflag:s14], $0x4000  }
0x94: {  	[sflag:s14] =	ssyncset.done $0x0  }
0x95: {  	s30 =	sadd.s32 $0x100, s25;
	[sflag:s14] =	ssyncadd.s32 $0xFFFFC000  }
0x96: {  	[tilespmem:s17], [sflag:$0x1] =	stream.indirect.gather [hbm4b:s4+s16], $0x80, s30, s16, $0xb8;
	[tilespmem:$0x1E400] =	vst v63  }
0x97: {  	_ =	swait.ge [sflag:s20], $0x4000  }
0x98: {  	[sflag:s20] =	ssyncset.done $0x0  }
0x99: {  	s31 =	sadd.s32 $0x1480, s25;
	[sflag:s20] =	ssyncadd.s32 $0xFFFFC000  }
0x9a: {  	[spmem:s2] =	stream.indirect.scatter.add.f32 [tilespmem:s18], [sflag:$0x3], $0x80, s31, s16, $0xb8;
	[tilespmem:$0x1E400] =	vst v63  }
0x9b: {  	_ =	swait.ge [sflag:s14], $0x4000  }
0x9c: {  	[sflag:s14] =	ssyncset.done $0x0  }
0x9d: {  	[sflag:s14] =	ssyncadd.s32 $0xFFFFC000  }
0x9e: {  	[tilespmem:s18], [sflag:$0x2] =	stream.indirect.gather [hbm4b:s4+s16], $0x80, s21, s16, $0xb8;
	[tilespmem:$0x1E400] =	vst v63  }
0x9f: {  	_ =	swait.ge [sflag:s19], $0x4000  }
0xa0: {  	[sflag:s19] =	ssyncset.done $0x0  }
0xa1: {  	[sflag:s19] =	ssyncadd.s32 $0xFFFFC000  }
0xa2: {  	[spmem:s2] =	stream.indirect.scatter.add.f32 [tilespmem:s17], [sflag:$0x3], $0x80, s22, s16, $0xb8;
	[tilespmem:$0x1E400] =	vst v63  }
0xa3: {  	_ =	swait.ge [sflag:s14], $0x4000  }
0xa4: {  	[sflag:s14] =	ssyncset.done $0x0  }
0xa5: {  	[sflag:s14] =	ssyncadd.s32 $0xFFFFC000  }
0xa6: {  	_ =	swait.ge [sflag:s20], $0x4000  }
0xa7: {  	[sflag:s20] =	ssyncset.done $0x0  }
0xa8: {  	[sflag:s20] =	ssyncadd.s32 $0xFFFFC000  }
0xa9: {  	[spmem:s2] =	stream.indirect.scatter.add.f32 [tilespmem:s18], [sflag:$0x3], $0x80, s23, s16, $0xb8;
	[tilespmem:$0x1E400] =	vst v63  }
0xaa: {  	_ =	swait.ge [sflag:s14], $0x4000  }
0xab: {  	s24 =	sadd.s32 $0x1, s24;
	[sflag:s14] =	ssyncset.done $0x0  }
0xac: {  	p0 =	sne.s32 s24, s7;
	[sflag:s14] =	ssyncadd.s32 $0xFFFFC000  }
.Ltmp2:
0xad: {  	[bflag:$0x0] =	sbarrier.arrive $0xFFFF;
	(pc) =	sbr.rel @p0 .LBB2_1-.Ltmp2, $4  }
0xae: {  	[hbm:s12], [sflag:s6] =	dma.local [spmem:s13], $0x2780  }
0xaf: {  	_ =	swait.ge [sflag:s14], $0x2780  }
0xb0: {  	[sflag:s14] =	ssyncset.done $0x0  }
0xb1: {  	[sflag:s14] =	ssyncadd.s32 $0xFFFFD880  }
0xb2: {  	_ =	sfence.sel $0x180000  }
0xb3: {  	[bflag:$0x0] =	sbarrier.arrive $0xFFFF  }
0xb4: {  	p0 =	sne.s32 s1, $0x0;
	_ =	strace $0x9000004D  }
0xb5: {  	s0 =	sadd.s32 @!p0 $0x100000, s0;
	[bflag:$0x2] =	sbarrier.arrive $0xFFFF  }
0xb6: {  	[sflag:s0] =	ssyncadd.tile.s32 @!p0 $0x1;
	_ =	shalt  }
.Lfunc_end2:
_tile_overlayer_lowered:
.L_overlay_start_2:
0xb7: {  	(tag) =	ssettag $0x2  }
0xb8: {  	s0 =	rddreg [dreg:$0x0];
	s2 =	stileid.u32  }
0xb9: {  	s1 =	rddreg [dreg:$0x1];
	p0 =	sne.s32 s2, $0x0  }
0xba: {  	s3 =	rddreg [dreg:$0x2];
	[bflag:$0x3] =	sbarrier.arrive $0xFFFF;
	s2 =	simm.s32 @!p0 $0x1C03  }
0xbb: {  	[timem:s3], [sflag:s2] =	dma.local @!p0 [hbm:s0], s1  }
0xbc: {  	s0 =	simm.s32 @!p0 $0x3  }
0xbd: {  	_ =	swait.ge @!p0 [sflag:s0], s1  }
0xbe: {  	s1 =	ssub.s32 @!p0 $0x0, s1;
	[sflag:s0] =	ssyncset.done @!p0 $0x0  }
0xbf: {  	[sflag:s0] =	ssyncadd.s32 @!p0 s1  }
0xc0: {  	[bflag:$0x3] =	sbarrier.arrive $0xFFFF  }
0xc1: {  	_ =	shalt  }

// kernel: kernel.8.cloned.1.call-start
scs
__scs_entry_jumppad:
0x0: {  	(pc) =	sbr.rel $0x88, $3  }
0x1: {  	(tag) =	ssettag $0x0;
	lr =	simm.s32 $0x1  }
0x2: {  	[smem:$0x3F95] =	sst lr;
	_ =	strace $0xD0000000  }
0x3: {  	_ = 	snop  }
0x4: {  	_ = 	snop  }
0x5: {  	_ = 	snop  }
0x6: {  	_ = 	snop  }
0x7: {  	_ = 	snop  }
__scs_overlays_trampoline_lowered:
0x8: {  	[smem:$0x3FA4] =	sst s0  }
0x9: {  	[smem:$0x3FA5] =	sst s1  }
0xa: {  	[smem:$0x3FA6] =	sst s2  }
0xb: {  	[smem:$0x3FA7] =	sst s3  }
0xc: {  	[smem:$0x3FA8] =	sst s4  }
0xd: {  	[smem:$0x3FA9] =	sst s5  }
0xe: {  	[smem:$0x3FAA] =	sst s6  }
0xf: {  	[smem:$0x3FAB] =	sst s7  }
0x10: {  	[smem:$0x3FAC] =	sst s8  }
0x11: {  	[smem:$0x3FAD] =	sst s9;
	s0 =	simm.s32 @!p0 $0x0  }
0x12: {  	s1 =	sld [smem:$0x3F93];
	s0 =	simm.s32 @p0 $0x1  }
0x13: {  	[smem:$0x3FAE] =	sst s0;
	s0 =	simm.s32 @!p1 $0x0  }
0x14: {  	s2 =	sld [smem:$0x3F92];
	s0 =	simm.s32 @p1 $0x1  }
0x15: {  	[smem:$0x3FAF] =	sst s0;
	s0 =	simm.s32 @!p2 $0x0  }
0x16: {  	s3 =	sld [smem:$0x3FDB];
	s0 =	simm.s32 @p2 $0x1  }
0x17: {  	s4 =	simm.s32 $0x1BF5;
	[smem:$0x3FB1] =	sst s0  }
0x18: {  	s0 =	sld [smem:$0x3F94];
	_ =	swait.ge [sflag:s4], $0x0  }
0x19: {  	s7 =	sld [smem:$0x3F95]  }
0x1a: {  	s8 =	sadd.s32 $0xFFFFE003, lr  }
0x1b: {  	s9 =	sadd.s32 $0xFFFFFEF7, lr;
	s5 =	simm.s32 $0xFFFFFFFF;
	p2 =	slt.u32 s8, $0xFFFFF086  }
0x1c: {  	p1 =	slt.u32 s9, $0xF7A;
	s5 =	simm.s32 @!p2 $0x0  }
0x1d: {  	s5 =	simm.s32 @p1 $0x1;
	p0 =	seq.s32 s7, s2  }
0x1e: {  	s7 =	smul.u32 @!p0 $0xF7A, s2;
	p2 =	seq.s32 @!p0 s5, $0x0  }
0x1f: {  	s9 =	smul.u32 $0xF7A, s1;
	s8 =	simm.s32 @!p0 $0x1BF5;
	p2 =	por !p2, p0  }
0x20: {  	[sflag:s8] =	ssyncset.s32 @!p0 $0xFFFFF086;
	s6 =	sadd.s32 @!p0 s3, s7;
	s7 =	simm.s32 @!p0 $0x108  }
0x21: {  	s3 =	sadd.s32 s3, s9;
	s6 =	sadd.s32 @!p0 $0x88, s6;
	s7 =	simm.s32 @p2 $0x1082  }
0x22: {  	[simem:s7], [sflag:s8] =	dma.local @!p0 [hbm:s6], $0xF7A  }
0x23: {  	s9 =	sor.u32 $0xD0000000, s2;
	s6 =	simm.s32 $0x108;
	_ =	swait.ge @!p0 [sflag:s8], $0x0  }
0x24: {  	s3 =	sadd.s32 $0x88, s3;
	s6 =	simm.s32 @!p1 $0x1082;
	[sflag:s4] =	ssyncset.s32 $0xFFFFF086  }
0x25: {  	[simem:s6], [sflag:s4] =	dma.local [hbm:s3], $0xF7A  }
0x26: {  	[smem:$0x3F95] =	sst s1;
	(tag) =	ssettag s2;
	_ =	strace s9  }
0x27: {  	s1 =	sld [smem:$0x3FA5]  }
0x28: {  	s2 =	sld [smem:$0x3FA6]  }
0x29: {  	s4 =	sld [smem:$0x3FA8]  }
0x2a: {  	p0 =	seq.s32 s5, $0x0;
	s5 =	sld [smem:$0x3FA9]  }
0x2b: {  	s6 =	sld [smem:$0x3FAA]  }
0x2c: {  	s7 =	sld [smem:$0x3FAB]  }
0x2d: {  	s3 =	simm.s32 $0x108;
	s8 =	sld [smem:$0x3FAC]  }
0x2e: {  	s3 =	simm.s32 @!p0 $0x1082;
	s9 =	sld [smem:$0x3FAD]  }
0x2f: {  	lr =	sadd.s32 s0, s3;
	s0 =	sld [smem:$0x3FA4]  }
0x30: {  	s3 =	sld [smem:$0x3FA7]  }
0x31: {  	[smem:$0x3FB0] =	sst s10  }
0x32: {  	s10 =	sld [smem:$0x3FAE];
	_ =	sdelay $0x3  }
0x33: {  	p0 =	seq.s32 s10, $0x1;
	s10 =	sld [smem:$0x3FB0];
	_ =	sdelay $0x3  }
0x34: {  	[smem:$0x3FB0] =	sst s10  }
0x35: {  	s10 =	sld [smem:$0x3FAF];
	_ =	sdelay $0x3  }
0x36: {  	p1 =	seq.s32 s10, $0x1;
	s10 =	sld [smem:$0x3FB0];
	_ =	sdelay $0x3  }
0x37: {  	[smem:$0x3FB0] =	sst s10  }
0x38: {  	s10 =	sld [smem:$0x3FB1]  }
0x39: {  	_ = 	snop;
	(pc) =	sbr.ind lr, $3  }
0x3a: {  	_ = 	snop  }
0x3b: {  	_ = 	snop  }
0x3c: {  	p2 =	seq.s32 s10, $0x1;
	s10 =	sld [smem:$0x3FB0]  }
0x3d: {  	_ =	shalt  }
0x3e: {  	_ =	shalt  }
0x3f: {  	_ =	shalt  }
0x40: {  	_ =	shalt  }
0x41: {  	_ =	shalt  }
0x42: {  	_ =	shalt  }
0x43: {  	_ =	shalt  }
0x44: {  	_ =	shalt  }
0x45: {  	_ =	shalt  }
0x46: {  	_ =	shalt  }
0x47: {  	_ =	shalt  }
0x48: {  	_ =	shalt  }
0x49: {  	_ =	shalt  }
0x4a: {  	_ =	shalt  }
0x4b: {  	_ =	shalt  }
0x4c: {  	_ =	shalt  }
0x4d: {  	_ =	shalt  }
0x4e: {  	_ =	shalt  }
0x4f: {  	_ =	shalt  }
0x50: {  	_ =	shalt  }
0x51: {  	_ =	shalt  }
0x52: {  	_ =	shalt  }
0x53: {  	_ =	shalt  }
0x54: {  	_ =	shalt  }
0x55: {  	_ =	shalt  }
0x56: {  	_ =	shalt  }
0x57: {  	_ =	shalt  }
0x58: {  	_ =	shalt  }
0x59: {  	_ =	shalt  }
0x5a: {  	_ =	shalt  }
0x5b: {  	_ =	shalt  }
0x5c: {  	_ =	shalt  }
0x5d: {  	_ =	shalt  }
0x5e: {  	_ =	shalt  }
0x5f: {  	_ =	shalt  }
0x60: {  	_ =	shalt  }
0x61: {  	_ =	shalt  }
0x62: {  	_ =	shalt  }
0x63: {  	_ =	shalt  }
0x64: {  	_ =	shalt  }
0x65: {  	_ =	shalt  }
0x66: {  	_ =	shalt  }
0x67: {  	_ =	shalt  }
0x68: {  	_ =	shalt  }
0x69: {  	_ =	shalt  }
0x6a: {  	_ =	shalt  }
0x6b: {  	_ =	shalt  }
0x6c: {  	_ =	shalt  }
0x6d: {  	_ =	shalt  }
0x6e: {  	_ =	shalt  }
0x6f: {  	_ =	shalt  }
0x70: {  	_ =	shalt  }
0x71: {  	_ =	shalt  }
0x72: {  	_ =	shalt  }
0x73: {  	_ =	shalt  }
0x74: {  	_ =	shalt  }
0x75: {  	_ =	shalt  }
0x76: {  	_ =	shalt  }
0x77: {  	_ =	shalt  }
0x78: {  	_ =	shalt  }
0x79: {  	_ =	shalt  }
0x7a: {  	_ =	shalt  }
0x7b: {  	_ =	shalt  }
0x7c: {  	_ =	shalt  }
0x7d: {  	_ =	shalt  }
0x7e: {  	_ =	shalt  }
0x7f: {  	_ =	shalt  }
0x80: {  	_ =	shalt  }
0x81: {  	_ =	shalt  }
0x82: {  	_ =	shalt  }
0x83: {  	_ =	shalt  }
0x84: {  	_ =	shalt  }
0x85: {  	_ =	shalt  }
0x86: {  	_ =	shalt  }
0x87: {  	_ =	shalt  }
.Lfunc_end0:
.L_simem_size_0:
called_computation_lowered:
.L_overlay_start_0:
0x88: {  	s2 =	sld [smem:$0x3FD9]  }
0x89: {  	s3 =	sld [smem:$0x3FFE];
	_ =	sdelay $0x1  }
0x8a: {  	s1 =	srdreg.scid  }
0x8b: {  	s0 =	sand.u32 $0x1, s1  }
0x8c: {  	s17 =	sshll.u32 s0, $0xA;
	s2 =	sadd.s32 s3, s2  }
0x8d: {  	s2 =	sadd.s32 s2, s17  }
0x8e: {  	[smem:$0x3FBC] =	sst s2  }
0x8f: {  	_ = 	snop  }
0x90: {  	s2 =	sld [smem:$0x3FD0];
	(tm) =	ssettm $0x1  }
0x91: {  	s18 =	sld [smem:$0x3FFB];
	_ =	sdelay $0x3  }
0x92: {  	_ =	strace s18  }
0x93: {  	s3 =	sld [smem:$0x3FFC];
	_ =	sdelay $0x3  }
0x94: {  	_ =	strace s3  }
0x95: {  	s3 =	sld [smem:$0x3FFD];
	_ =	sdelay $0x3  }
0x96: {  	_ =	strace s3  }
0x97: {  	_ =	strace $0x8FFFFFFF  }
0x98: {  	s19 =	sld [smem:$0x3FDB];
	_ =	sdelay $0x1  }
0x99: {  	s4 =	simm.s32 $_scs_section_size  }
0x9a: {  	s5 =	simm.s32 $_size__tile_overlayer_lowered;
	s6 =	simm.s32 $_tile_overlayer_lowered  }
0x9b: {  	s22 =	simm.s32 $0x1BFF;
	s21 =	sshll.u32 s6, $0x1;
	s3 =	sadd.s32 s4, s19  }
0x9c: {  	s7 =	simm.s32 $0x0;
	s20 =	sshll.u32 s5, $0x1;
	s5 =	sadd.s32 s21, s3  }
0x9d: {  	[timem:s7], [sflag:s22] =	dma.local [hbm:s5], s20  }
0x9e: {  	_ =	swait.ge [sflag:s22], s20  }
0x9f: {  	s4 =	ssub.s32 $0x0, s20;
	[sflag:s22] =	ssyncset.done $0x0  }
0xa0: {  	[sflag:s22] =	ssyncadd.s32 s4;
	_ =	sdelay $0x1  }
0xa1: {  	s23 =	simm.s32 $0x1B8B  }
0xa2: {  	_ =	swait.ge [sflag:s23], $0x1  }
0xa3: {  	[sflag:s23] =	ssyncset.done $0x0  }
0xa4: {  	s25 =	simm.s32 $0x1B8E;
	s24 =	sld [smem:$0x3FFE];
	[sflag:s23] =	ssyncadd.s32 $0xFFFFFFFF  }
0xa5: {  	s26 =	simm.s32 $execute0_lowered;
	[smem:$0x3FD2] =	sst s25  }
0xa6: {  	s5 =	sshll.u32 s26, $0x1;
	_ =	strace $0x80000046;
	[dreg:$0x1] =	wrdreg $0xFFFFFFFF  }
0xa7: {  	s28 =	simm.s32 $_size_execute0_lowered;
	s3 =	sadd.s32 s3, s5;
	[dreg:$0x0] =	wrdreg $0x0  }
0xa8: {  	s5 =	sshll.u32 s28, $0x1;
	[dreg:$0x2] =	wrdreg s3  }
0xa9: {  	[dreg:$0x3] =	wrdreg s5  }
0xaa: {  	[dreg:$0x4] =	wrdreg $0xC0  }
0xab: {  	_ =	task [dreg:s7], $0x5FFFF  }
0xac: {  	[dreg:$0x1] =	wrdreg $0xFFFFFFFF  }
0xad: {  	[dreg:$0x0] =	wrdreg $0x60  }
0xae: {  	[dreg:$0x2] =	wrdreg s2  }
0xaf: {  	[dreg:$0x3] =	wrdreg s24  }
0xb0: {  	[dreg:$0x4] =	wrdreg $0x68000  }
0xb1: {  	[dreg:$0x5] =	wrdreg $0x9  }
0xb2: {  	_ =	task.clear_ibuf [dreg:s7], $0x6FFFF;
	_ =	strace $0x90000046  }
0xb3: {  	s29 =	simm.s32 $0x9;
	_ =	strace $0x80000048  }
0xb4: {  	_ =	swait.ge [sflag:s29], $0x1  }
0xb5: {  	[sflag:s29] =	ssyncadd.s32 $0xFFFFFFFF  }
0xb6: {  	_ =	strace $0x90000048  }
0xb7: {  	_ =	sfence  }
0xb8: {  	s30 =	sld [smem:$0x0];
	_ =	sdelay $0x2  }
0xb9: {  	s31 =	sshll.u32 s1, $0xD;
	s1 =	sshrl.u32 s1, $0x2  }
0xba: {  	s3 =	sand.u32 $0x4000, s31;
	s1 =	sadd.s32 s1, s30  }
0xbb: {  	s0 =	sor.u32 s3, s0;
	s1 =	sshll.u32 s1, $0x11  }
0xbc: {  	s0 =	sor.u32 s1, s0  }
0xbd: {  	s0 =	sadd.s32 $0x8F2B, s0  }
0xbe: {  	[sflag:s0] =	ssyncadd.remote.s32 $0x1  }
0xbf: {  	_ =	sfence.sel $0xFFFF  }
0xc0: {  	[dreg:$0x0] =	wrdreg $0xFFFFFFFF;
	(pc) =	sbr.abs _section_cstart, $3  }
0xc1: {  	[dreg:$0x1] =	wrdreg $0xFFFFFFFF  }
0xc2: {  	_ =	task.clear_ibuf [dreg:s7], $0x2FFFF;
	_ =	strace $0x9FFFFFFF  }
0xc3: {  	(tm) =	ssettm $0x7FFFFFFF  }
tec
execute0_lowered:
.L_overlay_start_1:
0x0: {  	(tag) =	ssettag $0x1  }
0x1: {  	s7 =	rddreg [dreg:$0x0]  }
0x2: {  	s5 =	rddreg [dreg:$0x1]  }
0x3: {  	s1 =	rddreg [dreg:$0x2]  }
0x4: {  	s0 =	rddreg [dreg:$0x3];
	s3 =	simm.s32 $0x0;
	s2 =	stileid.u32  }
0x5: {  	s4 =	srdreg.scid;
	s14 =	simm.s32 $0x0;
	s6 =	smul.u32 $0x2780, s2  }
0x6: {  	[smem:$0x7FF] =	sst s3;
	s8 =	sand.u32 $0x1, s4;
	s11 =	smul.u32 $0x4F000, s2  }
0x7: {  	s4 =	sadd.s32 $0xF200, s5;
	s30 =	sshll.u32 s2, $0x6;
	s31 =	smul.u32 $0x500, s2  }
0x8: {  	_ =	strace $0x80000047;
	s9 =	ssub.s32 $0x2, s8;
	s28 =	smul.u32 $0x5000, s8  }
0x9: {  	p0 =	seq.s32 s8, $0x1;
	s10 =	sshrl.u32 s9, $0x1;
	s12 =	sadd.s32 s6, s5  }
0xa: {  	s29 =	sshrl.u32 s11, $0x2;
	s6 =	sor.u32 $0x1C01, s30;
	s11 =	simm.s32 $0x5EA00  }
0xb: {  	s9 =	ssub.s32 s9, s10;
	s13 =	sadd.s32 s29, s1;
	s10 =	sadd.s32 s31, s28  }
0xc: {  	s5 =	sadd.s32 $0xFA00, s12;
	s11 =	simm.s32 @!p0 $0x37200;
	s7 =	sadd.s32 s7, s10  }
0xd: {  	s8 =	smax.u32 s9, $0x1;
	s9 =	sadd.s32 s11, s12;
	s10 =	sshrl.u32 s13, $0x3  }
0xe: {  	s11 =	simm.s32 $0x1;
	s12 =	simm.s32 $0x2800;
	s13 =	simm.s32 $0x80  }
.LBB2_1:
0xf: {  	[spmem:s10], [sflag:s6] =	dma.local [hbm:s5], $0x2780  }
0x10: {  	_ =	swait.ge [sflag:s11], $0x2780  }
0x11: {  	[sflag:s11] =	ssyncset.done $0x0  }
0x12: {  	[sflag:s11] =	ssyncadd.s32 $0xFFFFD880  }
0x13: {  	[tilespmem:s12], [sflag:$0x1] =	stream.linear.gather [hbm4b:s4+s3], $0x4000, $0x38;
	[tilespmem:$0x1A400] =	vst v63  }
0x14: {  	_ =	swait.ge [sflag:s11], $0x4000  }
0x15: {  	[sflag:s11] =	ssyncset.done $0x0  }
0x16: {  	[sflag:s11] =	ssyncadd.s32 $0xFFFFC000  }
0x17: {  	[tilespmem:s3], [sflag:$0x1] =	stream.linear.gather [hbm4b:s7+s3], $0x2800, $0x38;
	[tilespmem:$0x1A400] =	vst v63  }
0x18: {  	_ =	swait.ge [sflag:s11], $0x2800  }
0x19: {  	[sflag:s11] =	ssyncset.done $0x0  }
0x1a: {  	[sflag:s11] =	ssyncadd.s32 $0xFFFFD800  }
0x1b: {  	s15 =	simm.s32 $0x0;
	[bflag:$0x0] =	sbarrier.arrive $0xFFFF  }
0x1c: {  	[spmem:s1] =	stream.indirect.scatter.add.f32 [tilespmem:s12], [sflag:$0x1], $0x80, s15, s13, $0xb8;
	[tilespmem:$0x1A400] =	vst v63  }
0x1d: {  	_ =	swait.ge [sflag:s11], $0x4000  }
0x1e: {  	s15 =	simm.s32 $0x200;
	[sflag:s11] =	ssyncset.done $0x0  }
.LBB2_2:
0x1f: {  	s16 =	sshra.s32 s15, $0x2;
	[sflag:s11] =	ssyncadd.s32 $0xFFFFC000;
	p0 =	sne.s32 s15, $0x9E00  }
0x20: {  	[spmem:s1] =	stream.indirect.scatter.add.f32 [tilespmem:s12], [sflag:$0x1], $0x80, s16, s13, $0xb8;
	[tilespmem:$0x1A400] =	vst v63  }
.Ltmp0:
0x21: {  	_ = 	snop;
	(pc) =	sbr.rel @p0 .LBB2_2-.Ltmp0, $4  }
0x22: {  	_ = 	snop  }
0x23: {  	s15 =	sadd.s32 $0x200, s15  }
0x24: {  	_ =	swait.ge [sflag:s11], $0x4000  }
0x25: {  	[sflag:s11] =	ssyncset.done $0x0  }
0x26: {  	s14 =	sadd.s32 $0x1, s14  }
0x27: {  	[sflag:s11] =	ssyncadd.s32 $0xFFFFC000;
	p0 =	sne.s32 s14, s8  }
.Ltmp1:
0x28: {  	[bflag:$0x0] =	sbarrier.arrive $0xFFFF;
	(pc) =	sbr.rel @p0 .LBB2_1-.Ltmp1, $4  }
0x29: {  	[hbm:s9], [sflag:s6] =	dma.local [spmem:s10], $0x2780  }
0x2a: {  	_ =	swait.ge [sflag:s11], $0x2780  }
0x2b: {  	[sflag:s11] =	ssyncset.done $0x0  }
0x2c: {  	[sflag:s11] =	ssyncadd.s32 $0xFFFFD880  }
0x2d: {  	_ =	sfence.sel $0x180000  }
0x2e: {  	[bflag:$0x0] =	sbarrier.arrive $0xFFFF  }
0x2f: {  	p0 =	sne.s32 s2, $0x0;
	_ =	strace $0x90000047  }
0x30: {  	s0 =	sadd.s32 @!p0 $0x100000, s0;
	[bflag:$0x2] =	sbarrier.arrive $0xFFFF  }
0x31: {  	[sflag:s0] =	ssyncadd.tile.s32 @!p0 $0x1;
	_ =	shalt  }
.Lfunc_end2:
_tile_overlayer_lowered:
.L_overlay_start_2:
0x32: {  	(tag) =	ssettag $0x2  }
0x33: {  	s0 =	rddreg [dreg:$0x0];
	s2 =	stileid.u32  }
0x34: {  	s1 =	rddreg [dreg:$0x1];
	p0 =	sne.s32 s2, $0x0  }
0x35: {  	s3 =	rddreg [dreg:$0x2];
	[bflag:$0x3] =	sbarrier.arrive $0xFFFF;
	s2 =	simm.s32 @!p0 $0x1C01  }
0x36: {  	[timem:s3], [sflag:s2] =	dma.local @!p0 [hbm:s0], s1  }
0x37: {  	s0 =	simm.s32 @!p0 $0x1  }
0x38: {  	_ =	swait.ge @!p0 [sflag:s0], s1  }
0x39: {  	s1 =	ssub.s32 @!p0 $0x0, s1;
	[sflag:s0] =	ssyncset.done @!p0 $0x0  }
0x3a: {  	[sflag:s0] =	ssyncadd.s32 @!p0 s1  }
0x3b: {  	[bflag:$0x3] =	sbarrier.arrive $0xFFFF  }
0x3c: {  	_ =	shalt  }

</sc_bundles>
